<compile_context>
chip_gen: v7x
topology: tpu7x:2x2x1
jax: 0.10.2.dev20260603
libtpu: 0.0.44.dev20260713+nightly
codegen_flags: <defaults>
</compile_context>

<pallas_src>
import functools

import jax
import jax.numpy as jnp
from jax import lax
from jax.experimental import pallas as pl
from jax.experimental.pallas import tpu as pltpu
from jax.experimental.pallas import tpu_sc as plsc

N = 10000
E = 320000
DIN = 128
DH = 128
DE = 16
Hh = 4
Dd = 32

NPAD = 10240
DUMMY = N
CW = 128
NTILES = 32
EPAD = 323584
BN = 512
BE = 1024

_INV_SQRT_D = 1.0 / (Dd ** 0.5)


def _ln_rows(xx, g, b):
    mu = jnp.mean(xx, axis=-1, keepdims=True)
    var = jnp.mean((xx - mu) ** 2, axis=-1, keepdims=True)
    return (xx - mu) / jnp.sqrt(var + 1e-5) * g + b


def _node_tables_body(x_ref, ln1g_ref, ln1b_ref, wq_ref, bq_ref, wk_ref,
                      bk_ref, wv_ref, bv_ref, bdk_ref, bdm_ref,
                      q_ref, kv_ref):
    h = _ln_rows(x_ref[...], ln1g_ref[...], ln1b_ref[...])
    q = jnp.dot(h, wq_ref[...], preferred_element_type=jnp.float32) + bq_ref[...]
    k = jnp.dot(h, wk_ref[...], preferred_element_type=jnp.float32) + bk_ref[...]
    v = jnp.dot(h, wv_ref[...], preferred_element_type=jnp.float32) + bv_ref[...]
    q_ref[...] = q
    kv_ref[:, :DH] = jnp.dot(k, bdk_ref[...], preferred_element_type=jnp.float32)
    kv_ref[:, DH:] = jnp.dot(v, bdm_ref[...], preferred_element_type=jnp.float32)


def _node_tables(x_p, ln1g, ln1b, Wq, bq, Wk, bk, Wv, bv, bdk, bdm):
    full = lambda shape: pl.BlockSpec(shape, lambda i: (0,) * len(shape))
    return pl.pallas_call(
        _node_tables_body,
        grid=(NPAD // BN,),
        in_specs=[
            pl.BlockSpec((BN, DIN), lambda i: (i, 0)),
            full((DIN,)), full((DIN,)),
            full((DIN, DH)), full((DH,)),
            full((DIN, DH)), full((DH,)),
            full((DIN, DH)), full((DH,)),
            full((DH, DH)), full((DH, DH)),
        ],
        out_specs=[
            pl.BlockSpec((BN, DH), lambda i: (i, 0)),
            pl.BlockSpec((BN, 2 * DH), lambda i: (i, 0)),
        ],
        out_shape=[
            jax.ShapeDtypeStruct((NPAD, DH), jnp.float32),
            jax.ShapeDtypeStruct((NPAD, 2 * DH), jnp.float32),
        ],
    )(x_p, ln1g, ln1b, Wq, bq, Wk, bk, Wv, bv, bdk, bdm)


def _sc_gather_one(table, idx_flat, width):
    mesh = plsc.VectorSubcoreMesh(core_axis_name="c", subcore_axis_name="s")
    per_tile = EPAD // NTILES
    steps = per_tile // CW

    @functools.partial(
        pl.kernel,
        out_type=jax.ShapeDtypeStruct((EPAD, width), jnp.float32),
        mesh=mesh,
        scratch_types=[
            pltpu.VMEM((CW,), jnp.int32),
            pltpu.VMEM((CW, width), jnp.float32),
            pltpu.SemaphoreType.DMA,
        ],
    )
    def k(tab_hbm, i_hbm, o_hbm, idx_v, rows_v, sem):
        wid = lax.axis_index("s") * 2 + lax.axis_index("c")
        base = wid * per_tile

        @pl.loop(0, steps)
        def _(c):
            off = base + c * CW
            pltpu.sync_copy(i_hbm.at[pl.ds(off, CW)], idx_v)
            pltpu.async_copy(tab_hbm.at[idx_v], rows_v, sem).wait()
            pltpu.sync_copy(rows_v, o_hbm.at[pl.ds(off, CW)])

    return k(table, idx_flat)


def _sc_gather(kvtab, qtab, src_p, dst_p):
    kvsrc = _sc_gather_one(kvtab, src_p, 2 * DH)
    qdst = _sc_gather_one(qtab, dst_p, DH)
    return kvsrc, qdst


def _edge_math_body(kvsrc_ref, qdst_ref, ea_ref, ln1eg_ref, ln1eb_ref,
                    we_ref, be_ref, wg_ref, bg_ref, biasrow_ref,
                    wm_ref, exb_ref):
    lnea = _ln_rows(ea_ref[...], ln1eg_ref[...], ln1eb_ref[...])
    e = jnp.dot(lnea, we_ref[...], preferred_element_type=jnp.float32) + be_ref[...]
    g = jnp.dot(lnea, wg_ref[...], preferred_element_type=jnp.float32) + bg_ref[...]
    kt = kvsrc_ref[:, :DH]
    mv = kvsrc_ref[:, DH:]
    qk = qdst_ref[...] * (kt + e)
    r_i = lax.broadcasted_iota(jnp.int32, (DH, DH), 0)
    c_i = lax.broadcasted_iota(jnp.int32, (DH, DH), 1)
    mh = (r_i // Dd == c_i).astype(jnp.float32)
    mb = (r_i == c_i // Dd).astype(jnp.float32)
    s128 = jnp.dot(qk, mh, preferred_element_type=jnp.float32)
    sc = s128 * _INV_SQRT_D + biasrow_ref[...]
    lane = lax.broadcasted_iota(jnp.int32, sc.shape, 1)
    ex = jnp.exp(sc) * (lane < Hh).astype(jnp.float32)
    exb = jnp.dot(ex, mb, preferred_element_type=jnp.float32)
    msg = mv * jax.nn.sigmoid(g)
    wm_ref[...] = exb * msg
    exb_ref[...] = exb


def _edge_math(kvsrc, qdst, ea_p, ln1eg, ln1eb, We, be, Wg, bg, biasrow):
    full = lambda shape: pl.BlockSpec(shape, lambda i: (0,) * len(shape))
    return pl.pallas_call(
        _edge_math_body,
        grid=(EPAD // BE,),
        in_specs=[
            pl.BlockSpec((BE, 2 * DH), lambda i: (i, 0)),
            pl.BlockSpec((BE, DH), lambda i: (i, 0)),
            pl.BlockSpec((BE, DE), lambda i: (i, 0)),
            full((DE,)), full((DE,)),
            full((DE, DH)), full((DH,)),
            full((DE, DH)), full((DH,)),
            full((1, DH)),
        ],
        out_specs=[pl.BlockSpec((BE, DH), lambda i: (i, 0)),
                   pl.BlockSpec((BE, DH), lambda i: (i, 0))],
        out_shape=[jax.ShapeDtypeStruct((EPAD, DH), jnp.float32),
                   jax.ShapeDtypeStruct((EPAD, DH), jnp.float32)],
    )(kvsrc, qdst, ea_p, ln1eg, ln1eb, We, be, Wg, bg, biasrow)


def _sc_scatter_one(edges, dst_flat, zeros_acc):
    mesh = plsc.VectorSubcoreMesh(core_axis_name="c", subcore_axis_name="s")
    rows_per_tile = NPAD // 16

    per_tile = EPAD // NTILES
    steps = per_tile // CW

    @functools.partial(
        pl.kernel,
        out_type=jax.ShapeDtypeStruct((2, NPAD, DH), jnp.float32),
        mesh=mesh,
        scratch_types=[
            pltpu.VMEM((CW,), jnp.int32),
            pltpu.VMEM((CW, DH), jnp.float32),
            pltpu.VMEM_SHARED((NPAD, DH), jnp.float32),
        ],
    )
    def k(edge_hbm, dst_hbm, zeros_hbm, out_hbm, idx_v, rows_v, acc):
        cid = lax.axis_index("c")
        sid = lax.axis_index("s")
        wid = sid * 2 + cid
        base_e = wid * per_tile
        base_n = sid * rows_per_tile
        pltpu.sync_copy(zeros_hbm.at[pl.ds(base_n, rows_per_tile)],
                        acc.at[pl.ds(base_n, rows_per_tile)])
        plsc.subcore_barrier()

        @pl.loop(0, steps)
        def _(c):
            off = base_e + c * CW
            pltpu.sync_copy(dst_hbm.at[pl.ds(off, CW)], idx_v)
            pltpu.sync_copy(edge_hbm.at[pl.ds(off, CW)], rows_v)
            pltpu.sync_copy(rows_v, acc.at[idx_v], add=True)

        plsc.subcore_barrier()
        pltpu.sync_copy(acc.at[pl.ds(base_n, rows_per_tile)],
                        out_hbm.at[cid, pl.ds(base_n, rows_per_tile)])

    return k(edges, dst_flat, zeros_acc)


def _sc_scatter(wm, exb, dst_flat, zeros_acc):
    pw = _sc_scatter_one(wm, dst_flat, zeros_acc)
    pe = _sc_scatter_one(exb, dst_flat, zeros_acc)
    return pw, pe


def _final_body(pw_ref, pe_ref, x_ref, skipg_ref, wo_ref, bo_ref, ln2g_ref,
                ln2b_ref, w1_ref, b1_ref, w2_ref, b2_ref, out_ref):
    aggw = pw_ref[0] + pw_ref[1]
    denb = pe_ref[0] + pe_ref[1]
    agg = aggw / (denb + 1e-16)
    h_attn = jnp.dot(agg, wo_ref[...], preferred_element_type=jnp.float32) + bo_ref[...]
    beta = jax.nn.sigmoid(skipg_ref[...])
    h2 = beta * h_attn + (1.0 - beta) * x_ref[...]
    hn = _ln_rows(h2, ln2g_ref[...], ln2b_ref[...])
    ff = jnp.dot(jax.nn.gelu(
        jnp.dot(hn, w1_ref[...], preferred_element_type=jnp.float32) + b1_ref[...]),
        w2_ref[...], preferred_element_type=jnp.float32) + b2_ref[...]
    out_ref[...] = h2 + ff


def _final(pw, pe, x_p, skipg_row, Wo, bo, ln2g, ln2b, W1, b1, W2, b2):
    full = lambda shape: pl.BlockSpec(shape, lambda i: (0,) * len(shape))
    return pl.pallas_call(
        _final_body,
        grid=(NPAD // BN,),
        in_specs=[
            pl.BlockSpec((2, BN, DH), lambda i: (0, i, 0)),
            pl.BlockSpec((2, BN, DH), lambda i: (0, i, 0)),
            pl.BlockSpec((BN, DIN), lambda i: (i, 0)),
            full((1, DH)),
            full((DH, DH)), full((DH,)),
            full((DH,)), full((DH,)),
            full((DH, 2 * DH)), full((2 * DH,)),
            full((2 * DH, DH)), full((DH,)),
        ],
        out_specs=[pl.BlockSpec((BN, DH), lambda i: (i, 0))],
        out_shape=[jax.ShapeDtypeStruct((NPAD, DH), jnp.float32)],
    )(pw, pe, x_p, skipg_row, Wo, bo, ln2g, ln2b, W1, b1, W2, b2)[0]


def kernel(x, edge_index, edge_attr, Wq, bq, Wk, bk, Wv, bv, We, be, Wg, bg,
           Wo, bo, edge_w, msg_w, attn_bi, skip_g, ln1g, ln1b, ln1eg, ln1eb,
           ln2g, ln2b, W1, b1, W2, b2):
    src = edge_index[0]
    dst = edge_index[1]

    x_p = jnp.pad(x, ((0, NPAD - N), (0, 0)))
    src_p = jnp.concatenate([src, jnp.zeros((EPAD - E,), jnp.int32)])
    dst_p = jnp.concatenate([dst, jnp.full((EPAD - E,), DUMMY, jnp.int32)])
    ea_p = jnp.pad(edge_attr, ((0, EPAD - E), (0, 0)))
    bdk = jnp.zeros((DH, DH), jnp.float32)
    bdm = jnp.zeros((DH, DH), jnp.float32)
    for hh in range(Hh):
        sl = slice(hh * Dd, (hh + 1) * Dd)
        bdk = bdk.at[sl, sl].set(edge_w[0, hh])
        bdm = bdm.at[sl, sl].set(msg_w[0, hh])
    biasrow = jnp.zeros((1, DH), jnp.float32).at[0, :Hh].set(attn_bi[:, 0])
    skipg_row = jnp.broadcast_to(skip_g, (1, DH)).astype(jnp.float32)
    zeros_acc = jnp.zeros((NPAD, DH), jnp.float32)

    qtab, kvtab = _node_tables(x_p, ln1g, ln1b, Wq, bq, Wk, bk, Wv, bv,
                               bdk, bdm)
    kvsrc, qdst = _sc_gather(kvtab, qtab, src_p, dst_p)
    wm, exb = _edge_math(kvsrc, qdst, ea_p, ln1eg, ln1eb, We, be, Wg, bg,
                         biasrow)
    pw, pe = _sc_scatter(wm, exb, dst_p, zeros_acc)
    out = _final(pw, pe, x_p, skipg_row, Wo, bo, ln2g, ln2b, W1, b1, W2, b2)
    return out[:N]

# --- scband reference (transcript-rebuilt; emitter-appended) ---
"""Pipeline reference for scband-fraud-gtlayer-35493609734438 (READ-ONLY COPY).

The authoritative reference and input builder live on the scoring server;
editing this copy changes nothing except your own understanding.
"""

import jax, jax.numpy as jnp
import numpy as np

N = 10000
E = 320000
DIN = 128
DH = 128
DE = 16
Hh = 4
Dd = 32


def _w(k, shape, s=0.05):
    return jax.random.normal(k, shape, dtype=jnp.float32) * s


def setup_inputs(seed: int = 0) -> dict:
    key = jax.random.key(seed)
    ks = jax.random.split(key, 24)
    inp = {}
    inp["x"] = jax.random.normal(ks[0], (N, DIN), dtype=jnp.float32)
    inp["edge_index"] = jax.random.randint(ks[1], (2, E), 0, N).astype(jnp.int32)
    inp["edge_attr"] = jax.random.normal(ks[2], (E, DE), dtype=jnp.float32)
    inp["Wq"] = _w(ks[3], (DIN, DH)); inp["bq"] = jnp.zeros((DH,), jnp.float32)
    inp["Wk"] = _w(ks[4], (DIN, DH)); inp["bk"] = jnp.zeros((DH,), jnp.float32)
    inp["Wv"] = _w(ks[5], (DIN, DH)); inp["bv"] = jnp.zeros((DH,), jnp.float32)
    inp["We"] = _w(ks[6], (DE, DH)); inp["be"] = jnp.zeros((DH,), jnp.float32)
    inp["Wg"] = _w(ks[7], (DE, DH)); inp["bg"] = jnp.zeros((DH,), jnp.float32)
    inp["Wo"] = _w(ks[8], (DH, DH)); inp["bo"] = jnp.zeros((DH,), jnp.float32)
    inp["edge_w"] = _w(ks[9], (1, Hh, Dd, Dd), 0.1)
    inp["msg_w"] = _w(ks[10], (1, Hh, Dd, Dd), 0.1)
    inp["attn_bi"] = jnp.zeros((Hh, 2), jnp.float32)
    inp["skip_g"] = jnp.zeros((), jnp.float32)
    inp["ln1g"] = jnp.ones((DIN,), jnp.float32); inp["ln1b"] = jnp.zeros((DIN,), jnp.float32)
    inp["ln1eg"] = jnp.ones((DE,), jnp.float32); inp["ln1eb"] = jnp.zeros((DE,), jnp.float32)
    inp["ln2g"] = jnp.ones((DH,), jnp.float32); inp["ln2b"] = jnp.zeros((DH,), jnp.float32)
    inp["W1"] = _w(ks[11], (DH, 2 * DH)); inp["b1"] = jnp.zeros((2 * DH,), jnp.float32)
    inp["W2"] = _w(ks[12], (2 * DH, DH)); inp["b2"] = jnp.zeros((DH,), jnp.float32)
    return inp


def _ln(x, g, b):
    mu = x.mean(-1, keepdims=True)
    var = ((x - mu) ** 2).mean(-1, keepdims=True)
    return (x - mu) / jnp.sqrt(var + 1e-5) * g + b


def reference(x, edge_index, edge_attr, Wq, bq, Wk, bk, Wv, bv, We, be, Wg, bg, Wo, bo,
              edge_w, msg_w, attn_bi, skip_g, ln1g, ln1b, ln1eg, ln1eb, ln2g, ln2b,
              W1, b1, W2, b2):
    src = edge_index[0]
    dst = edge_index[1]
    # norm1_global on nodes / edges (single node-type, single edge-type)
    h = _ln(x, ln1g, ln1b)
    ea = _ln(edge_attr, ln1eg, ln1eb)
    q = (h @ Wq + bq).reshape(N, Hh, Dd)
    k = (h @ Wk + bk).reshape(N, Hh, Dd)
    v = (h @ Wv + bv).reshape(N, Hh, Dd)
    e = (ea @ We + be).reshape(E, Hh, Dd)
    g = (ea @ Wg + bg).reshape(E, Hh, Dd)
    # per-edge gathers (memory-bound)
    k_src = k[src]
    v_src = v[src]
    q_dst = q[dst]
    # edge-type specific key transform + edge feature bias
    ke = jnp.einsum('ehd,hdf->ehf', k_src, edge_w[0]) + e
    score = (q_dst * ke).sum(-1) / jnp.sqrt(jnp.float32(Dd)) + attn_bi[:, 0][None, :]
    # segment softmax over incoming edges of each dst node, per head
    m = jax.ops.segment_max(score, dst, num_segments=N)
    m = jnp.where(jnp.isfinite(m), m, 0.0)
    ex = jnp.exp(score - m[dst])
    den = jax.ops.segment_sum(ex, dst, num_segments=N)
    alpha = ex / (den[dst] + 1e-16)
    # gated messages
    msg = jnp.einsum('ehd,hdf->ehf', v_src, msg_w[0]) * jax.nn.sigmoid(g)
    agg = jax.ops.segment_sum(alpha[..., None] * msg, dst, num_segments=N).reshape(N, DH)
    h_attn = agg @ Wo + bo
    # learned skip (skip_global)
    beta = jax.nn.sigmoid(skip_g)
    h2 = beta * h_attn + (1.0 - beta) * x
    # node FFN (norm2_ffn + ff_linear1/2)
    hn = _ln(h2, ln2g, ln2b)
    out = h2 + jax.nn.gelu(hn @ W1 + b1) @ W2 + b2
    return out

if __name__ == "__main__":
    import jax
    _d = setup_inputs()
    print(jax.jit(kernel)(*tuple(_d.values())))

</pallas_src>

<mosaic_0001>
#map = affine_map<(d0, d1) -> (0, 0)>
#map1 = affine_map<(d0, d1) -> (0)>
#map2 = affine_map<(d0, d1) -> (0, 0, 0)>
module attributes {stable_mosaic.version = 14 : i64} {
  func.func @k(%arg0: i32, %arg1: i32, %arg2: memref<323584x128xf32, #tpu.memory_space<hbm>>, %arg3: memref<323584xi32, #tpu.memory_space<hbm>>, %arg4: memref<10240x128xf32, #tpu.memory_space<hbm>>, %arg5: memref<2x10240x128xf32, #tpu.memory_space<hbm>>, %arg6: memref<128xi32, #tpu.memory_space<vmem>>, %arg7: memref<128x128xf32, #tpu.memory_space<vmem>>, %arg8: memref<10240x128xf32, #tpu.memory_space<vmem_shared>>) attributes {dimension_semantics = [#tpu.dimension_semantics<core_parallel>, #tpu.dimension_semantics<subcore_parallel>], iteration_bounds = array<i64: 2, 16>, scalar_prefetch = 0 : i64, scratch_operands = 3 : i64, tpu.core_type = #tpu.core_type<sc_vector_subcore>, window_params = [{transform_indices = #map}, {transform_indices = #map1}, {transform_indices = #map}, {transform_indices = #map2}]} {
    %mul3A = arith.constant 2 : i32
    %mul3A_0 = arith.muli %arg1, %mul3A : i32
    %add3A = arith.addi %mul3A_0, %arg0 : i32
    %mul3A_1 = arith.constant 10112 : i32
    %mul3A_2 = arith.muli %add3A, %mul3A_1 : i32
    %mul3A_3 = arith.constant 640 : i32
    %mul3A_4 = arith.muli %arg1, %mul3A_3 : i32
    "tpu.region"() ({
      %run_scoped3A = tpu.sem_alloc : memref<!tpu.dma_semaphore, #tpu.memory_space<semaphore_mem>>
      %dma_start3A = arith.constant 0 : i32
      %dma_start3A_10 = tpu.memref_slice %arg8[%mul3A_4, %dma_start3A] : memref<10240x128xf32, #tpu.memory_space<vmem_shared>> -> memref<640x128xf32, #tpu.memory_space<vmem_shared>>
      %dma_start3A_11 = arith.constant 0 : i32
      %dma_start3A_12 = tpu.memref_slice %arg4[%mul3A_4, %dma_start3A_11] : memref<10240x128xf32, #tpu.memory_space<hbm>> -> memref<640x128xf32, #tpu.memory_space<hbm>>
      tpu.enqueue_dma source(%dma_start3A_12 : memref<640x128xf32, #tpu.memory_space<hbm>>) target(%dma_start3A_10 : memref<640x128xf32, #tpu.memory_space<vmem_shared>>) target_semaphore(%run_scoped3A : memref<!tpu.dma_semaphore, #tpu.memory_space<semaphore_mem>>)
      %dma_wait3A = arith.constant 0 : i32
      %dma_wait3A_13 = tpu.memref_slice %arg8[%mul3A_4, %dma_wait3A] : memref<10240x128xf32, #tpu.memory_space<vmem_shared>> -> memref<640x128xf32, #tpu.memory_space<vmem_shared>>
      %dma_wait3A_14 = arith.constant 0 : i32
      %dma_wait3A_15 = tpu.memref_slice %arg4[%mul3A_4, %dma_wait3A_14] : memref<10240x128xf32, #tpu.memory_space<hbm>> -> memref<640x128xf32, #tpu.memory_space<hbm>>
      tpu.wait_dma2 semaphore(%run_scoped3A : memref<!tpu.dma_semaphore, #tpu.memory_space<semaphore_mem>>) src(%dma_wait3A_15 : memref<640x128xf32, #tpu.memory_space<hbm>>) dst(%dma_wait3A_13 : memref<640x128xf32, #tpu.memory_space<vmem_shared>>)
      tpu.yield
    }) : () -> ()
    %barrier3A = arith.constant 0 : index
    tpu.barrier barrier_id(%barrier3A)
    %scan3A = arith.constant 0 : i32
    %scan3A_5 = arith.constant 79 : i32
    %scan3A_6 = arith.addi %scan3A, %scan3A_5 : i32
    %scan3A_7 = arith.constant 1 : i32
    scf.for %scan3A_10 = %scan3A to %scan3A_6 step %scan3A_7  : i32 {
      %mul3A_11 = arith.constant 1 : i32
      %mul3A_12 = arith.muli %scan3A_10, %mul3A_11 : i32
      %add3A_13 = arith.constant 0 : i32
      %add3A_14 = arith.addi %add3A_13, %mul3A_12 : i32
      %mul3A_15 = arith.constant 128 : i32
      %mul3A_16 = arith.muli %add3A_14, %mul3A_15 : i32
      %add3A_17 = arith.addi %mul3A_2, %mul3A_16 : i32
      "tpu.region"() ({
        %run_scoped3A = tpu.sem_alloc : memref<!tpu.dma_semaphore, #tpu.memory_space<semaphore_mem>>
        %dma_start3A = tpu.memref_slice %arg3[%add3A_17] : memref<323584xi32, #tpu.memory_space<hbm>> -> memref<128xi32, #tpu.memory_space<hbm>>
        %dma_start3A_18 = tpu.memref_slice %arg3[%add3A_17] : memref<323584xi32, #tpu.memory_space<hbm>> -> memref<128xi32, #tpu.memory_space<hbm>>
        tpu.enqueue_dma source(%dma_start3A_18 : memref<128xi32, #tpu.memory_space<hbm>>) target(%arg6 : memref<128xi32, #tpu.memory_space<vmem>>) target_semaphore(%run_scoped3A : memref<!tpu.dma_semaphore, #tpu.memory_space<semaphore_mem>>)
        %dma_wait3A = tpu.memref_slice %arg3[%add3A_17] : memref<323584xi32, #tpu.memory_space<hbm>> -> memref<128xi32, #tpu.memory_space<hbm>>
        %dma_wait3A_19 = tpu.memref_slice %arg3[%add3A_17] : memref<323584xi32, #tpu.memory_space<hbm>> -> memref<128xi32, #tpu.memory_space<hbm>>
        tpu.wait_dma2 semaphore(%run_scoped3A : memref<!tpu.dma_semaphore, #tpu.memory_space<semaphore_mem>>) src(%dma_wait3A_19 : memref<128xi32, #tpu.memory_space<hbm>>) dst(%arg6 : memref<128xi32, #tpu.memory_space<vmem>>)
        tpu.yield
      }) : () -> ()
      "tpu.region"() ({
        %run_scoped3A = tpu.sem_alloc : memref<!tpu.dma_semaphore, #tpu.memory_space<semaphore_mem>>
        %dma_start3A = arith.constant 0 : i32
        %dma_start3A_18 = tpu.memref_slice %arg2[%add3A_17, %dma_start3A] : memref<323584x128xf32, #tpu.memory_space<hbm>> -> memref<128x128xf32, #tpu.memory_space<hbm>>
        %dma_start3A_19 = arith.constant 0 : i32
        %dma_start3A_20 = tpu.memref_slice %arg2[%add3A_17, %dma_start3A_19] : memref<323584x128xf32, #tpu.memory_space<hbm>> -> memref<128x128xf32, #tpu.memory_space<hbm>>
        tpu.enqueue_dma source(%dma_start3A_20 : memref<128x128xf32, #tpu.memory_space<hbm>>) target(%arg7 : memref<128x128xf32, #tpu.memory_space<vmem>>) target_semaphore(%run_scoped3A : memref<!tpu.dma_semaphore, #tpu.memory_space<semaphore_mem>>)
        %dma_wait3A = arith.constant 0 : i32
        %dma_wait3A_21 = tpu.memref_slice %arg2[%add3A_17, %dma_wait3A] : memref<323584x128xf32, #tpu.memory_space<hbm>> -> memref<128x128xf32, #tpu.memory_space<hbm>>
        %dma_wait3A_22 = arith.constant 0 : i32
        %dma_wait3A_23 = tpu.memref_slice %arg2[%add3A_17, %dma_wait3A_22] : memref<323584x128xf32, #tpu.memory_space<hbm>> -> memref<128x128xf32, #tpu.memory_space<hbm>>
        tpu.wait_dma2 semaphore(%run_scoped3A : memref<!tpu.dma_semaphore, #tpu.memory_space<semaphore_mem>>) src(%dma_wait3A_23 : memref<128x128xf32, #tpu.memory_space<hbm>>) dst(%arg7 : memref<128x128xf32, #tpu.memory_space<vmem>>)
        tpu.yield
      }) : () -> ()
      "tpu.region"() ({
        %run_scoped3A = tpu.sem_alloc : memref<!tpu.dma_semaphore, #tpu.memory_space<semaphore_mem>>
        %dma_start3A = arith.constant 0 : i32
        %dma_start3A_18 = arith.constant 0 : i32
        %dma_start3A_19 = tpu.memref_slice %arg8[%dma_start3A, %dma_start3A_18] : memref<10240x128xf32, #tpu.memory_space<vmem_shared>> -> memref<10240x128xf32, #tpu.memory_space<vmem_shared>>
        tpu.enqueue_indirect_dma source(%arg7 : memref<128x128xf32, #tpu.memory_space<vmem>>) target(%dma_start3A_19 : memref<10240x128xf32, #tpu.memory_space<vmem_shared>>) offsets(%arg6 : memref<128xi32, #tpu.memory_space<vmem>>) semaphore(%run_scoped3A : memref<!tpu.dma_semaphore, #tpu.memory_space<semaphore_mem>>) {add = true}
        %dma_wait3A = arith.constant 0 : i32
        %dma_wait3A_20 = arith.constant 0 : i32
        %dma_wait3A_21 = tpu.memref_slice %arg8[%dma_wait3A, %dma_wait3A_20] : memref<10240x128xf32, #tpu.memory_space<vmem_shared>> -> memref<10240x128xf32, #tpu.memory_space<vmem_shared>>
        tpu.wait_indirect_dma semaphore(%run_scoped3A : memref<!tpu.dma_semaphore, #tpu.memory_space<semaphore_mem>>) src(%arg7 : memref<128x128xf32, #tpu.memory_space<vmem>>) dst(%dma_wait3A_21 : memref<10240x128xf32, #tpu.memory_space<vmem_shared>>)
        tpu.yield
      }) : () -> ()
    }
    %scan3A_8 = arith.constant 79 : i32
    %barrier3A_9 = arith.constant 0 : index
    tpu.barrier barrier_id(%barrier3A_9)
    "tpu.region"() ({
      %run_scoped3A = tpu.sem_alloc : memref<!tpu.dma_semaphore, #tpu.memory_space<semaphore_mem>>
      %dma_start3A = arith.constant 0 : i32
      %dma_start3A_10 = tpu.memref_slice %arg5[%arg0, %mul3A_4, %dma_start3A] : memref<2x10240x128xf32, #tpu.memory_space<hbm>> -> memref<1x640x128xf32, #tpu.memory_space<hbm>>
      %dma_start3A_11 = tpu.memref_squeeze %dma_start3A_10 : memref<1x640x128xf32, #tpu.memory_space<hbm>> -> memref<640x128xf32, #tpu.memory_space<hbm>>
      %dma_start3A_12 = arith.constant 0 : i32
      %dma_start3A_13 = tpu.memref_slice %arg8[%mul3A_4, %dma_start3A_12] : memref<10240x128xf32, #tpu.memory_space<vmem_shared>> -> memref<640x128xf32, #tpu.memory_space<vmem_shared>>
      tpu.enqueue_dma source(%dma_start3A_13 : memref<640x128xf32, #tpu.memory_space<vmem_shared>>) target(%dma_start3A_11 : memref<640x128xf32, #tpu.memory_space<hbm>>) target_semaphore(%run_scoped3A : memref<!tpu.dma_semaphore, #tpu.memory_space<semaphore_mem>>)
      %dma_wait3A = arith.constant 0 : i32
      %dma_wait3A_14 = tpu.memref_slice %arg5[%arg0, %mul3A_4, %dma_wait3A] : memref<2x10240x128xf32, #tpu.memory_space<hbm>> -> memref<1x640x128xf32, #tpu.memory_space<hbm>>
      %dma_wait3A_15 = tpu.memref_squeeze %dma_wait3A_14 : memref<1x640x128xf32, #tpu.memory_space<hbm>> -> memref<640x128xf32, #tpu.memory_space<hbm>>
      %dma_wait3A_16 = arith.constant 0 : i32
      %dma_wait3A_17 = tpu.memref_slice %arg8[%mul3A_4, %dma_wait3A_16] : memref<10240x128xf32, #tpu.memory_space<vmem_shared>> -> memref<640x128xf32, #tpu.memory_space<vmem_shared>>
      tpu.wait_dma2 semaphore(%run_scoped3A : memref<!tpu.dma_semaphore, #tpu.memory_space<semaphore_mem>>) src(%dma_wait3A_17 : memref<640x128xf32, #tpu.memory_space<vmem_shared>>) dst(%dma_wait3A_15 : memref<640x128xf32, #tpu.memory_space<hbm>>)
      tpu.yield
    }) : () -> ()
    return
  }
}

#map = affine_map<(d0, d1) -> (0, 0)>
#map1 = affine_map<(d0, d1) -> (0)>
module attributes {stable_mosaic.version = 14 : i64} {
  func.func @k(%arg0: i32, %arg1: i32, %arg2: memref<10240x256xf32, #tpu.memory_space<hbm>>, %arg3: memref<323584xi32, #tpu.memory_space<hbm>>, %arg4: memref<323584x256xf32, #tpu.memory_space<hbm>>, %arg5: memref<128xi32, #tpu.memory_space<vmem>>, %arg6: memref<128x256xf32, #tpu.memory_space<vmem>>, %arg7: memref<!tpu.dma_semaphore, #tpu.memory_space<semaphore_mem>>) attributes {dimension_semantics = [#tpu.dimension_semantics<core_parallel>, #tpu.dimension_semantics<subcore_parallel>], iteration_bounds = array<i64: 2, 16>, scalar_prefetch = 0 : i64, scratch_operands = 3 : i64, tpu.core_type = #tpu.core_type<sc_vector_subcore>, window_params = [{transform_indices = #map}, {transform_indices = #map1}, {transform_indices = #map}]} {
    %mul3A = arith.constant 2 : i32
    %mul3A_0 = arith.muli %arg1, %mul3A : i32
    %add3A = arith.addi %mul3A_0, %arg0 : i32
    %mul3A_1 = arith.constant 10112 : i32
    %mul3A_2 = arith.muli %add3A, %mul3A_1 : i32
    %scan3A = arith.constant 0 : i32
    %scan3A_3 = arith.constant 79 : i32
    %scan3A_4 = arith.addi %scan3A, %scan3A_3 : i32
    %scan3A_5 = arith.constant 1 : i32
    scf.for %scan3A_7 = %scan3A to %scan3A_4 step %scan3A_5  : i32 {
      %mul3A_8 = arith.constant 1 : i32
      %mul3A_9 = arith.muli %scan3A_7, %mul3A_8 : i32
      %add3A_10 = arith.constant 0 : i32
      %add3A_11 = arith.addi %add3A_10, %mul3A_9 : i32
      %mul3A_12 = arith.constant 128 : i32
      %mul3A_13 = arith.muli %add3A_11, %mul3A_12 : i32
      %add3A_14 = arith.addi %mul3A_2, %mul3A_13 : i32
      "tpu.region"() ({
        %run_scoped3A = tpu.sem_alloc : memref<!tpu.dma_semaphore, #tpu.memory_space<semaphore_mem>>
        %dma_start3A_19 = tpu.memref_slice %arg3[%add3A_14] : memref<323584xi32, #tpu.memory_space<hbm>> -> memref<128xi32, #tpu.memory_space<hbm>>
        %dma_start3A_20 = tpu.memref_slice %arg3[%add3A_14] : memref<323584xi32, #tpu.memory_space<hbm>> -> memref<128xi32, #tpu.memory_space<hbm>>
        tpu.enqueue_dma source(%dma_start3A_20 : memref<128xi32, #tpu.memory_space<hbm>>) target(%arg5 : memref<128xi32, #tpu.memory_space<vmem>>) target_semaphore(%run_scoped3A : memref<!tpu.dma_semaphore, #tpu.memory_space<semaphore_mem>>)
        %dma_wait3A_21 = tpu.memref_slice %arg3[%add3A_14] : memref<323584xi32, #tpu.memory_space<hbm>> -> memref<128xi32, #tpu.memory_space<hbm>>
        %dma_wait3A_22 = tpu.memref_slice %arg3[%add3A_14] : memref<323584xi32, #tpu.memory_space<hbm>> -> memref<128xi32, #tpu.memory_space<hbm>>
        tpu.wait_dma2 semaphore(%run_scoped3A : memref<!tpu.dma_semaphore, #tpu.memory_space<semaphore_mem>>) src(%dma_wait3A_22 : memref<128xi32, #tpu.memory_space<hbm>>) dst(%arg5 : memref<128xi32, #tpu.memory_space<vmem>>)
        tpu.yield
      }) : () -> ()
      %dma_start3A = arith.constant 0 : i32
      %dma_start3A_15 = arith.constant 0 : i32
      %dma_start3A_16 = tpu.memref_slice %arg2[%dma_start3A, %dma_start3A_15] : memref<10240x256xf32, #tpu.memory_space<hbm>> -> memref<10240x256xf32, #tpu.memory_space<hbm>>
      tpu.enqueue_indirect_dma source(%dma_start3A_16 : memref<10240x256xf32, #tpu.memory_space<hbm>>) target(%arg6 : memref<128x256xf32, #tpu.memory_space<vmem>>) offsets(%arg5 : memref<128xi32, #tpu.memory_space<vmem>>) semaphore(%arg7 : memref<!tpu.dma_semaphore, #tpu.memory_space<semaphore_mem>>)
      %dma_wait3A = arith.constant 0 : i32
      %dma_wait3A_17 = arith.constant 0 : i32
      %dma_wait3A_18 = tpu.memref_slice %arg2[%dma_wait3A, %dma_wait3A_17] : memref<10240x256xf32, #tpu.memory_space<hbm>> -> memref<10240x256xf32, #tpu.memory_space<hbm>>
      tpu.wait_indirect_dma semaphore(%arg7 : memref<!tpu.dma_semaphore, #tpu.memory_space<semaphore_mem>>) src(%dma_wait3A_18 : memref<10240x256xf32, #tpu.memory_space<hbm>>) dst(%arg6 : memref<128x256xf32, #tpu.memory_space<vmem>>)
      "tpu.region"() ({
        %run_scoped3A = tpu.sem_alloc : memref<!tpu.dma_semaphore, #tpu.memory_space<semaphore_mem>>
        %dma_start3A_19 = arith.constant 0 : i32
        %dma_start3A_20 = tpu.memref_slice %arg4[%add3A_14, %dma_start3A_19] : memref<323584x256xf32, #tpu.memory_space<hbm>> -> memref<128x256xf32, #tpu.memory_space<hbm>>
        %dma_start3A_21 = arith.constant 0 : i32
        %dma_start3A_22 = tpu.memref_slice %arg4[%add3A_14, %dma_start3A_21] : memref<323584x256xf32, #tpu.memory_space<hbm>> -> memref<128x256xf32, #tpu.memory_space<hbm>>
        tpu.enqueue_dma source(%arg6 : memref<128x256xf32, #tpu.memory_space<vmem>>) target(%dma_start3A_22 : memref<128x256xf32, #tpu.memory_space<hbm>>) target_semaphore(%run_scoped3A : memref<!tpu.dma_semaphore, #tpu.memory_space<semaphore_mem>>)
        %dma_wait3A_23 = arith.constant 0 : i32
        %dma_wait3A_24 = tpu.memref_slice %arg4[%add3A_14, %dma_wait3A_23] : memref<323584x256xf32, #tpu.memory_space<hbm>> -> memref<128x256xf32, #tpu.memory_space<hbm>>
        %dma_wait3A_25 = arith.constant 0 : i32
        %dma_wait3A_26 = tpu.memref_slice %arg4[%add3A_14, %dma_wait3A_25] : memref<323584x256xf32, #tpu.memory_space<hbm>> -> memref<128x256xf32, #tpu.memory_space<hbm>>
        tpu.wait_dma2 semaphore(%run_scoped3A : memref<!tpu.dma_semaphore, #tpu.memory_space<semaphore_mem>>) src(%arg6 : memref<128x256xf32, #tpu.memory_space<vmem>>) dst(%dma_wait3A_26 : memref<128x256xf32, #tpu.memory_space<hbm>>)
        tpu.yield
      }) : () -> ()
    }
    %scan3A_6 = arith.constant 79 : i32
    return
  }
}

#map = affine_map<(d0, d1) -> (0, 0)>
#map1 = affine_map<(d0, d1) -> (0)>
module attributes {stable_mosaic.version = 14 : i64} {
  func.func @k(%arg0: i32, %arg1: i32, %arg2: memref<10240x128xf32, #tpu.memory_space<hbm>>, %arg3: memref<323584xi32, #tpu.memory_space<hbm>>, %arg4: memref<323584x128xf32, #tpu.memory_space<hbm>>, %arg5: memref<128xi32, #tpu.memory_space<vmem>>, %arg6: memref<128x128xf32, #tpu.memory_space<vmem>>, %arg7: memref<!tpu.dma_semaphore, #tpu.memory_space<semaphore_mem>>) attributes {dimension_semantics = [#tpu.dimension_semantics<core_parallel>, #tpu.dimension_semantics<subcore_parallel>], iteration_bounds = array<i64: 2, 16>, scalar_prefetch = 0 : i64, scratch_operands = 3 : i64, tpu.core_type = #tpu.core_type<sc_vector_subcore>, window_params = [{transform_indices = #map}, {transform_indices = #map1}, {transform_indices = #map}]} {
    %mul3A = arith.constant 2 : i32
    %mul3A_0 = arith.muli %arg1, %mul3A : i32
    %add3A = arith.addi %mul3A_0, %arg0 : i32
    %mul3A_1 = arith.constant 10112 : i32
    %mul3A_2 = arith.muli %add3A, %mul3A_1 : i32
    %scan3A = arith.constant 0 : i32
    %scan3A_3 = arith.constant 79 : i32
    %scan3A_4 = arith.addi %scan3A, %scan3A_3 : i32
    %scan3A_5 = arith.constant 1 : i32
    scf.for %scan3A_7 = %scan3A to %scan3A_4 step %scan3A_5  : i32 {
      %mul3A_8 = arith.constant 1 : i32
      %mul3A_9 = arith.muli %scan3A_7, %mul3A_8 : i32
      %add3A_10 = arith.constant 0 : i32
      %add3A_11 = arith.addi %add3A_10, %mul3A_9 : i32
      %mul3A_12 = arith.constant 128 : i32
      %mul3A_13 = arith.muli %add3A_11, %mul3A_12 : i32
      %add3A_14 = arith.addi %mul3A_2, %mul3A_13 : i32
      "tpu.region"() ({
        %run_scoped3A = tpu.sem_alloc : memref<!tpu.dma_semaphore, #tpu.memory_space<semaphore_mem>>
        %dma_start3A_19 = tpu.memref_slice %arg3[%add3A_14] : memref<323584xi32, #tpu.memory_space<hbm>> -> memref<128xi32, #tpu.memory_space<hbm>>
        %dma_start3A_20 = tpu.memref_slice %arg3[%add3A_14] : memref<323584xi32, #tpu.memory_space<hbm>> -> memref<128xi32, #tpu.memory_space<hbm>>
        tpu.enqueue_dma source(%dma_start3A_20 : memref<128xi32, #tpu.memory_space<hbm>>) target(%arg5 : memref<128xi32, #tpu.memory_space<vmem>>) target_semaphore(%run_scoped3A : memref<!tpu.dma_semaphore, #tpu.memory_space<semaphore_mem>>)
        %dma_wait3A_21 = tpu.memref_slice %arg3[%add3A_14] : memref<323584xi32, #tpu.memory_space<hbm>> -> memref<128xi32, #tpu.memory_space<hbm>>
        %dma_wait3A_22 = tpu.memref_slice %arg3[%add3A_14] : memref<323584xi32, #tpu.memory_space<hbm>> -> memref<128xi32, #tpu.memory_space<hbm>>
        tpu.wait_dma2 semaphore(%run_scoped3A : memref<!tpu.dma_semaphore, #tpu.memory_space<semaphore_mem>>) src(%dma_wait3A_22 : memref<128xi32, #tpu.memory_space<hbm>>) dst(%arg5 : memref<128xi32, #tpu.memory_space<vmem>>)
        tpu.yield
      }) : () -> ()
      %dma_start3A = arith.constant 0 : i32
      %dma_start3A_15 = arith.constant 0 : i32
      %dma_start3A_16 = tpu.memref_slice %arg2[%dma_start3A, %dma_start3A_15] : memref<10240x128xf32, #tpu.memory_space<hbm>> -> memref<10240x128xf32, #tpu.memory_space<hbm>>
      tpu.enqueue_indirect_dma source(%dma_start3A_16 : memref<10240x128xf32, #tpu.memory_space<hbm>>) target(%arg6 : memref<128x128xf32, #tpu.memory_space<vmem>>) offsets(%arg5 : memref<128xi32, #tpu.memory_space<vmem>>) semaphore(%arg7 : memref<!tpu.dma_semaphore, #tpu.memory_space<semaphore_mem>>)
      %dma_wait3A = arith.constant 0 : i32
      %dma_wait3A_17 = arith.constant 0 : i32
      %dma_wait3A_18 = tpu.memref_slice %arg2[%dma_wait3A, %dma_wait3A_17] : memref<10240x128xf32, #tpu.memory_space<hbm>> -> memref<10240x128xf32, #tpu.memory_space<hbm>>
      tpu.wait_indirect_dma semaphore(%arg7 : memref<!tpu.dma_semaphore, #tpu.memory_space<semaphore_mem>>) src(%dma_wait3A_18 : memref<10240x128xf32, #tpu.memory_space<hbm>>) dst(%arg6 : memref<128x128xf32, #tpu.memory_space<vmem>>)
      "tpu.region"() ({
        %run_scoped3A = tpu.sem_alloc : memref<!tpu.dma_semaphore, #tpu.memory_space<semaphore_mem>>
        %dma_start3A_19 = arith.constant 0 : i32
        %dma_start3A_20 = tpu.memref_slice %arg4[%add3A_14, %dma_start3A_19] : memref<323584x128xf32, #tpu.memory_space<hbm>> -> memref<128x128xf32, #tpu.memory_space<hbm>>
        %dma_start3A_21 = arith.constant 0 : i32
        %dma_start3A_22 = tpu.memref_slice %arg4[%add3A_14, %dma_start3A_21] : memref<323584x128xf32, #tpu.memory_space<hbm>> -> memref<128x128xf32, #tpu.memory_space<hbm>>
        tpu.enqueue_dma source(%arg6 : memref<128x128xf32, #tpu.memory_space<vmem>>) target(%dma_start3A_22 : memref<128x128xf32, #tpu.memory_space<hbm>>) target_semaphore(%run_scoped3A : memref<!tpu.dma_semaphore, #tpu.memory_space<semaphore_mem>>)
        %dma_wait3A_23 = arith.constant 0 : i32
        %dma_wait3A_24 = tpu.memref_slice %arg4[%add3A_14, %dma_wait3A_23] : memref<323584x128xf32, #tpu.memory_space<hbm>> -> memref<128x128xf32, #tpu.memory_space<hbm>>
        %dma_wait3A_25 = arith.constant 0 : i32
        %dma_wait3A_26 = tpu.memref_slice %arg4[%add3A_14, %dma_wait3A_25] : memref<323584x128xf32, #tpu.memory_space<hbm>> -> memref<128x128xf32, #tpu.memory_space<hbm>>
        tpu.wait_dma2 semaphore(%run_scoped3A : memref<!tpu.dma_semaphore, #tpu.memory_space<semaphore_mem>>) src(%arg6 : memref<128x128xf32, #tpu.memory_space<vmem>>) dst(%dma_wait3A_26 : memref<128x128xf32, #tpu.memory_space<hbm>>)
        tpu.yield
      }) : () -> ()
    }
    %scan3A_6 = arith.constant 79 : i32
    return
  }
}

#map = affine_map<(d0, d1) -> (0, 0)>
#map1 = affine_map<(d0, d1) -> (0)>
#map2 = affine_map<(d0, d1) -> (0, 0, 0)>
module attributes {stable_mosaic.version = 14 : i64} {
  func.func @k(%arg0: i32, %arg1: i32, %arg2: memref<323584x128xf32, #tpu.memory_space<hbm>>, %arg3: memref<323584xi32, #tpu.memory_space<hbm>>, %arg4: memref<10240x128xf32, #tpu.memory_space<hbm>>, %arg5: memref<2x10240x128xf32, #tpu.memory_space<hbm>>, %arg6: memref<128xi32, #tpu.memory_space<vmem>>, %arg7: memref<128x128xf32, #tpu.memory_space<vmem>>, %arg8: memref<10240x128xf32, #tpu.memory_space<vmem_shared>>) attributes {dimension_semantics = [#tpu.dimension_semantics<core_parallel>, #tpu.dimension_semantics<subcore_parallel>], iteration_bounds = array<i64: 2, 16>, scalar_prefetch = 0 : i64, scratch_operands = 3 : i64, tpu.core_type = #tpu.core_type<sc_vector_subcore>, window_params = [{transform_indices = #map}, {transform_indices = #map1}, {transform_indices = #map}, {transform_indices = #map2}]} {
    %mul3A = arith.constant 2 : i32
    %mul3A_0 = arith.muli %arg1, %mul3A : i32
    %add3A = arith.addi %mul3A_0, %arg0 : i32
    %mul3A_1 = arith.constant 10112 : i32
    %mul3A_2 = arith.muli %add3A, %mul3A_1 : i32
    %mul3A_3 = arith.constant 640 : i32
    %mul3A_4 = arith.muli %arg1, %mul3A_3 : i32
    "tpu.region"() ({
      %run_scoped3A = tpu.sem_alloc : memref<!tpu.dma_semaphore, #tpu.memory_space<semaphore_mem>>
      %dma_start3A = arith.constant 0 : i32
      %dma_start3A_10 = tpu.memref_slice %arg8[%mul3A_4, %dma_start3A] : memref<10240x128xf32, #tpu.memory_space<vmem_shared>> -> memref<640x128xf32, #tpu.memory_space<vmem_shared>>
      %dma_start3A_11 = arith.constant 0 : i32
      %dma_start3A_12 = tpu.memref_slice %arg4[%mul3A_4, %dma_start3A_11] : memref<10240x128xf32, #tpu.memory_space<hbm>> -> memref<640x128xf32, #tpu.memory_space<hbm>>
      tpu.enqueue_dma source(%dma_start3A_12 : memref<640x128xf32, #tpu.memory_space<hbm>>) target(%dma_start3A_10 : memref<640x128xf32, #tpu.memory_space<vmem_shared>>) target_semaphore(%run_scoped3A : memref<!tpu.dma_semaphore, #tpu.memory_space<semaphore_mem>>)
      %dma_wait3A = arith.constant 0 : i32
      %dma_wait3A_13 = tpu.memref_slice %arg8[%mul3A_4, %dma_wait3A] : memref<10240x128xf32, #tpu.memory_space<vmem_shared>> -> memref<640x128xf32, #tpu.memory_space<vmem_shared>>
      %dma_wait3A_14 = arith.constant 0 : i32
      %dma_wait3A_15 = tpu.memref_slice %arg4[%mul3A_4, %dma_wait3A_14] : memref<10240x128xf32, #tpu.memory_space<hbm>> -> memref<640x128xf32, #tpu.memory_space<hbm>>
      tpu.wait_dma2 semaphore(%run_scoped3A : memref<!tpu.dma_semaphore, #tpu.memory_space<semaphore_mem>>) src(%dma_wait3A_15 : memref<640x128xf32, #tpu.memory_space<hbm>>) dst(%dma_wait3A_13 : memref<640x128xf32, #tpu.memory_space<vmem_shared>>)
      tpu.yield
    }) : () -> ()
    %barrier3A = arith.constant 0 : index
    tpu.barrier barrier_id(%barrier3A)
    %scan3A = arith.constant 0 : i32
    %scan3A_5 = arith.constant 79 : i32
    %scan3A_6 = arith.addi %scan3A, %scan3A_5 : i32
    %scan3A_7 = arith.constant 1 : i32
    scf.for %scan3A_10 = %scan3A to %scan3A_6 step %scan3A_7  : i32 {
      %mul3A_11 = arith.constant 1 : i32
      %mul3A_12 = arith.muli %scan3A_10, %mul3A_11 : i32
      %add3A_13 = arith.constant 0 : i32
      %add3A_14 = arith.addi %add3A_13, %mul3A_12 : i32
      %mul3A_15 = arith.constant 128 : i32
      %mul3A_16 = arith.muli %add3A_14, %mul3A_15 : i32
      %add3A_17 = arith.addi %mul3A_2, %mul3A_16 : i32
      "tpu.region"() ({
        %run_scoped3A = tpu.sem_alloc : memref<!tpu.dma_semaphore, #tpu.memory_space<semaphore_mem>>
        %dma_start3A = tpu.memref_slice %arg3[%add3A_17] : memref<323584xi32, #tpu.memory_space<hbm>> -> memref<128xi32, #tpu.memory_space<hbm>>
        %dma_start3A_18 = tpu.memref_slice %arg3[%add3A_17] : memref<323584xi32, #tpu.memory_space<hbm>> -> memref<128xi32, #tpu.memory_space<hbm>>
        tpu.enqueue_dma source(%dma_start3A_18 : memref<128xi32, #tpu.memory_space<hbm>>) target(%arg6 : memref<128xi32, #tpu.memory_space<vmem>>) target_semaphore(%run_scoped3A : memref<!tpu.dma_semaphore, #tpu.memory_space<semaphore_mem>>)
        %dma_wait3A = tpu.memref_slice %arg3[%add3A_17] : memref<323584xi32, #tpu.memory_space<hbm>> -> memref<128xi32, #tpu.memory_space<hbm>>
        %dma_wait3A_19 = tpu.memref_slice %arg3[%add3A_17] : memref<323584xi32, #tpu.memory_space<hbm>> -> memref<128xi32, #tpu.memory_space<hbm>>
        tpu.wait_dma2 semaphore(%run_scoped3A : memref<!tpu.dma_semaphore, #tpu.memory_space<semaphore_mem>>) src(%dma_wait3A_19 : memref<128xi32, #tpu.memory_space<hbm>>) dst(%arg6 : memref<128xi32, #tpu.memory_space<vmem>>)
        tpu.yield
      }) : () -> ()
      "tpu.region"() ({
        %run_scoped3A = tpu.sem_alloc : memref<!tpu.dma_semaphore, #tpu.memory_space<semaphore_mem>>
        %dma_start3A = arith.constant 0 : i32
        %dma_start3A_18 = tpu.memref_slice %arg2[%add3A_17, %dma_start3A] : memref<323584x128xf32, #tpu.memory_space<hbm>> -> memref<128x128xf32, #tpu.memory_space<hbm>>
        %dma_start3A_19 = arith.constant 0 : i32
        %dma_start3A_20 = tpu.memref_slice %arg2[%add3A_17, %dma_start3A_19] : memref<323584x128xf32, #tpu.memory_space<hbm>> -> memref<128x128xf32, #tpu.memory_space<hbm>>
        tpu.enqueue_dma source(%dma_start3A_20 : memref<128x128xf32, #tpu.memory_space<hbm>>) target(%arg7 : memref<128x128xf32, #tpu.memory_space<vmem>>) target_semaphore(%run_scoped3A : memref<!tpu.dma_semaphore, #tpu.memory_space<semaphore_mem>>)
        %dma_wait3A = arith.constant 0 : i32
        %dma_wait3A_21 = tpu.memref_slice %arg2[%add3A_17, %dma_wait3A] : memref<323584x128xf32, #tpu.memory_space<hbm>> -> memref<128x128xf32, #tpu.memory_space<hbm>>
        %dma_wait3A_22 = arith.constant 0 : i32
        %dma_wait3A_23 = tpu.memref_slice %arg2[%add3A_17, %dma_wait3A_22] : memref<323584x128xf32, #tpu.memory_space<hbm>> -> memref<128x128xf32, #tpu.memory_space<hbm>>
        tpu.wait_dma2 semaphore(%run_scoped3A : memref<!tpu.dma_semaphore, #tpu.memory_space<semaphore_mem>>) src(%dma_wait3A_23 : memref<128x128xf32, #tpu.memory_space<hbm>>) dst(%arg7 : memref<128x128xf32, #tpu.memory_space<vmem>>)
        tpu.yield
      }) : () -> ()
      "tpu.region"() ({
        %run_scoped3A = tpu.sem_alloc : memref<!tpu.dma_semaphore, #tpu.memory_space<semaphore_mem>>
        %dma_start3A = arith.constant 0 : i32
        %dma_start3A_18 = arith.constant 0 : i32
        %dma_start3A_19 = tpu.memref_slice %arg8[%dma_start3A, %dma_start3A_18] : memref<10240x128xf32, #tpu.memory_space<vmem_shared>> -> memref<10240x128xf32, #tpu.memory_space<vmem_shared>>
        tpu.enqueue_indirect_dma source(%arg7 : memref<128x128xf32, #tpu.memory_space<vmem>>) target(%dma_start3A_19 : memref<10240x128xf32, #tpu.memory_space<vmem_shared>>) offsets(%arg6 : memref<128xi32, #tpu.memory_space<vmem>>) semaphore(%run_scoped3A : memref<!tpu.dma_semaphore, #tpu.memory_space<semaphore_mem>>) {add = true}
        %dma_wait3A = arith.constant 0 : i32
        %dma_wait3A_20 = arith.constant 0 : i32
        %dma_wait3A_21 = tpu.memref_slice %arg8[%dma_wait3A, %dma_wait3A_20] : memref<10240x128xf32, #tpu.memory_space<vmem_shared>> -> memref<10240x128xf32, #tpu.memory_space<vmem_shared>>
        tpu.wait_indirect_dma semaphore(%run_scoped3A : memref<!tpu.dma_semaphore, #tpu.memory_space<semaphore_mem>>) src(%arg7 : memref<128x128xf32, #tpu.memory_space<vmem>>) dst(%dma_wait3A_21 : memref<10240x128xf32, #tpu.memory_space<vmem_shared>>)
        tpu.yield
      }) : () -> ()
    }
    %scan3A_8 = arith.constant 79 : i32
    %barrier3A_9 = arith.constant 0 : index
    tpu.barrier barrier_id(%barrier3A_9)
    "tpu.region"() ({
      %run_scoped3A = tpu.sem_alloc : memref<!tpu.dma_semaphore, #tpu.memory_space<semaphore_mem>>
      %dma_start3A = arith.constant 0 : i32
      %dma_start3A_10 = tpu.memref_slice %arg5[%arg0, %mul3A_4, %dma_start3A] : memref<2x10240x128xf32, #tpu.memory_space<hbm>> -> memref<1x640x128xf32, #tpu.memory_space<hbm>>
      %dma_start3A_11 = tpu.memref_squeeze %dma_start3A_10 : memref<1x640x128xf32, #tpu.memory_space<hbm>> -> memref<640x128xf32, #tpu.memory_space<hbm>>
      %dma_start3A_12 = arith.constant 0 : i32
      %dma_start3A_13 = tpu.memref_slice %arg8[%mul3A_4, %dma_start3A_12] : memref<10240x128xf32, #tpu.memory_space<vmem_shared>> -> memref<640x128xf32, #tpu.memory_space<vmem_shared>>
      tpu.enqueue_dma source(%dma_start3A_13 : memref<640x128xf32, #tpu.memory_space<vmem_shared>>) target(%dma_start3A_11 : memref<640x128xf32, #tpu.memory_space<hbm>>) target_semaphore(%run_scoped3A : memref<!tpu.dma_semaphore, #tpu.memory_space<semaphore_mem>>)
      %dma_wait3A = arith.constant 0 : i32
      %dma_wait3A_14 = tpu.memref_slice %arg5[%arg0, %mul3A_4, %dma_wait3A] : memref<2x10240x128xf32, #tpu.memory_space<hbm>> -> memref<1x640x128xf32, #tpu.memory_space<hbm>>
      %dma_wait3A_15 = tpu.memref_squeeze %dma_wait3A_14 : memref<1x640x128xf32, #tpu.memory_space<hbm>> -> memref<640x128xf32, #tpu.memory_space<hbm>>
      %dma_wait3A_16 = arith.constant 0 : i32
      %dma_wait3A_17 = tpu.memref_slice %arg8[%mul3A_4, %dma_wait3A_16] : memref<10240x128xf32, #tpu.memory_space<vmem_shared>> -> memref<640x128xf32, #tpu.memory_space<vmem_shared>>
      tpu.wait_dma2 semaphore(%run_scoped3A : memref<!tpu.dma_semaphore, #tpu.memory_space<semaphore_mem>>) src(%dma_wait3A_17 : memref<640x128xf32, #tpu.memory_space<vmem_shared>>) dst(%dma_wait3A_15 : memref<640x128xf32, #tpu.memory_space<hbm>>)
      tpu.yield
    }) : () -> ()
    return
  }
}

module attributes {stable_mosaic.version = 14 : i64} {
  func.func @_node_tables_body(%arg0: i32, %arg1: memref<512x128xf32, #tpu.memory_space<vmem>>, %arg2: memref<128xf32, #tpu.memory_space<vmem>>, %arg3: memref<128xf32, #tpu.memory_space<vmem>>, %arg4: memref<128x128xf32, #tpu.memory_space<vmem>>, %arg5: memref<128xf32, #tpu.memory_space<vmem>>, %arg6: memref<128x128xf32, #tpu.memory_space<vmem>>, %arg7: memref<128xf32, #tpu.memory_space<vmem>>, %arg8: memref<128x128xf32, #tpu.memory_space<vmem>>, %arg9: memref<128xf32, #tpu.memory_space<vmem>>, %arg10: memref<128x128xf32, #tpu.memory_space<vmem>>, %arg11: memref<128x128xf32, #tpu.memory_space<vmem>>, %arg12: memref<512x128xf32, #tpu.memory_space<vmem>>, %arg13: memref<512x256xf32, #tpu.memory_space<vmem>>) attributes {dimension_semantics = [#tpu.dimension_semantics<arbitrary>], iteration_bounds = array<i64: 20>, scalar_prefetch = 0 : i64, scratch_operands = 0 : i64, tpu.core_type = #tpu.core_type<tc>, window_params = [{transform_indices = @transform_0, window_bounds = array<i64: 512, 128>}, {pipeline_mode = #tpu.pipeline_mode<synchronous>, transform_indices = @transform_1, window_bounds = array<i64: 128>}, {pipeline_mode = #tpu.pipeline_mode<synchronous>, transform_indices = @transform_2, window_bounds = array<i64: 128>}, {pipeline_mode = #tpu.pipeline_mode<synchronous>, transform_indices = @transform_3, window_bounds = array<i64: 128, 128>}, {pipeline_mode = #tpu.pipeline_mode<synchronous>, transform_indices = @transform_4, window_bounds = array<i64: 128>}, {pipeline_mode = #tpu.pipeline_mode<synchronous>, transform_indices = @transform_5, window_bounds = array<i64: 128, 128>}, {pipeline_mode = #tpu.pipeline_mode<synchronous>, transform_indices = @transform_6, window_bounds = array<i64: 128>}, {pipeline_mode = #tpu.pipeline_mode<synchronous>, transform_indices = @transform_7, window_bounds = array<i64: 128, 128>}, {pipeline_mode = #tpu.pipeline_mode<synchronous>, transform_indices = @transform_8, window_bounds = array<i64: 128>}, {pipeline_mode = #tpu.pipeline_mode<synchronous>, transform_indices = @transform_9, window_bounds = array<i64: 128, 128>}, {pipeline_mode = #tpu.pipeline_mode<synchronous>, transform_indices = @transform_10, window_bounds = array<i64: 128, 128>}, {transform_indices = @transform_11, window_bounds = array<i64: 512, 128>}, {transform_indices = @transform_12, window_bounds = array<i64: 512, 256>}]} {
    %get3A = arith.constant 0 : index
    %get3A_0 = arith.constant 0 : index
    %get3A_1 = vector.load %arg1[%get3A, %get3A_0] : memref<512x128xf32, #tpu.memory_space<vmem>>, vector<512x128xf32>
    %get3A_2 = arith.constant 0 : index
    %get3A_3 = vector.load %arg2[%get3A_2] : memref<128xf32, #tpu.memory_space<vmem>>, vector<128xf32>
    %get3A_4 = arith.constant 0 : index
    %get3A_5 = vector.load %arg3[%get3A_4] : memref<128xf32, #tpu.memory_space<vmem>>, vector<128xf32>
    %reduce_sum3A = arith.constant dense<0.000000e+00> : vector<512xf32>
    %reduce_sum3A_6 = vector.multi_reduction <add>, %get3A_1, %reduce_sum3A [1] : vector<512x128xf32> to vector<512xf32>
    %broadcast_in_dim3A = vector.shape_cast %reduce_sum3A_6 : vector<512xf32> to vector<512x1xf32>
    %div3A = arith.constant 1.280000e+02 : f32
    %div3A_7 = vector.broadcast %div3A : f32 to vector<512x1xf32>
    %div3A_8 = arith.divf %broadcast_in_dim3A, %div3A_7 : vector<512x1xf32>
    %sub3A = vector.broadcast %div3A_8 : vector<512x1xf32> to vector<512x128xf32>
    %sub3A_9 = arith.subf %get3A_1, %sub3A : vector<512x128xf32>
    %integer_pow3A = arith.mulf %sub3A_9, %sub3A_9 : vector<512x128xf32>
    %reduce_sum3A_10 = arith.constant dense<0.000000e+00> : vector<512xf32>
    %reduce_sum3A_11 = vector.multi_reduction <add>, %integer_pow3A, %reduce_sum3A_10 [1] : vector<512x128xf32> to vector<512xf32>
    %broadcast_in_dim3A_12 = vector.shape_cast %reduce_sum3A_11 : vector<512xf32> to vector<512x1xf32>
    %div3A_13 = arith.constant 1.280000e+02 : f32
    %div3A_14 = vector.broadcast %div3A_13 : f32 to vector<512x1xf32>
    %div3A_15 = arith.divf %broadcast_in_dim3A_12, %div3A_14 : vector<512x1xf32>
    %sub3A_16 = vector.broadcast %div3A_8 : vector<512x1xf32> to vector<512x128xf32>
    %sub3A_17 = arith.subf %get3A_1, %sub3A_16 : vector<512x128xf32>
    %add3A = arith.constant 9.99999974E-6 : f32
    %add3A_18 = vector.broadcast %add3A : f32 to vector<512x1xf32>
    %add3A_19 = arith.addf %div3A_15, %add3A_18 : vector<512x1xf32>
    %sqrt3A = math.sqrt %add3A_19 : vector<512x1xf32>
    %div3A_20 = vector.broadcast %sqrt3A : vector<512x1xf32> to vector<512x128xf32>
    %div3A_21 = arith.divf %sub3A_17, %div3A_20 : vector<512x128xf32>
    %broadcast_in_dim3A_22 = vector.shape_cast %get3A_3 : vector<128xf32> to vector<1x128xf32>
    %mul3A = vector.broadcast %broadcast_in_dim3A_22 : vector<1x128xf32> to vector<512x128xf32>
    %mul3A_23 = arith.mulf %div3A_21, %mul3A : vector<512x128xf32>
    %broadcast_in_dim3A_24 = vector.shape_cast %get3A_5 : vector<128xf32> to vector<1x128xf32>
    %add3A_25 = vector.broadcast %broadcast_in_dim3A_24 : vector<1x128xf32> to vector<512x128xf32>
    %add3A_26 = arith.addf %mul3A_23, %add3A_25 : vector<512x128xf32>
    %get3A_27 = arith.constant 0 : index
    %get3A_28 = arith.constant 0 : index
    %get3A_29 = vector.load %arg4[%get3A_27, %get3A_28] : memref<128x128xf32, #tpu.memory_space<vmem>>, vector<128x128xf32>
    %dot_general3A = arith.constant dense<0.000000e+00> : vector<512x128xf32>
    %dot_general3A_30 = tpu.matmul %add3A_26, %get3A_29, %dot_general3A {dimension_numbers = #tpu.dot_dimension_numbers<[1], [0], [0], [1], [0, 0, 1, 1], [], []>, transpose_lhs_hint = false} : vector<512x128xf32>, vector<128x128xf32>, vector<512x128xf32> -> vector<512x128xf32>
    %get3A_31 = arith.constant 0 : index
    %get3A_32 = vector.load %arg5[%get3A_31] : memref<128xf32, #tpu.memory_space<vmem>>, vector<128xf32>
    %broadcast_in_dim3A_33 = vector.shape_cast %get3A_32 : vector<128xf32> to vector<1x128xf32>
    %add3A_34 = vector.broadcast %broadcast_in_dim3A_33 : vector<1x128xf32> to vector<512x128xf32>
    %add3A_35 = arith.addf %dot_general3A_30, %add3A_34 : vector<512x128xf32>
    %get3A_36 = arith.constant 0 : index
    %get3A_37 = arith.constant 0 : index
    %get3A_38 = vector.load %arg6[%get3A_36, %get3A_37] : memref<128x128xf32, #tpu.memory_space<vmem>>, vector<128x128xf32>
    %dot_general3A_39 = arith.constant dense<0.000000e+00> : vector<512x128xf32>
    %dot_general3A_40 = tpu.matmul %add3A_26, %get3A_38, %dot_general3A_39 {dimension_numbers = #tpu.dot_dimension_numbers<[1], [0], [0], [1], [0, 0, 1, 1], [], []>, transpose_lhs_hint = false} : vector<512x128xf32>, vector<128x128xf32>, vector<512x128xf32> -> vector<512x128xf32>
    %get3A_41 = arith.constant 0 : index
    %get3A_42 = vector.load %arg7[%get3A_41] : memref<128xf32, #tpu.memory_space<vmem>>, vector<128xf32>
    %broadcast_in_dim3A_43 = vector.shape_cast %get3A_42 : vector<128xf32> to vector<1x128xf32>
    %add3A_44 = vector.broadcast %broadcast_in_dim3A_43 : vector<1x128xf32> to vector<512x128xf32>
    %add3A_45 = arith.addf %dot_general3A_40, %add3A_44 : vector<512x128xf32>
    %get3A_46 = arith.constant 0 : index
    %get3A_47 = arith.constant 0 : index
    %get3A_48 = vector.load %arg8[%get3A_46, %get3A_47] : memref<128x128xf32, #tpu.memory_space<vmem>>, vector<128x128xf32>
    %dot_general3A_49 = arith.constant dense<0.000000e+00> : vector<512x128xf32>
    %dot_general3A_50 = tpu.matmul %add3A_26, %get3A_48, %dot_general3A_49 {dimension_numbers = #tpu.dot_dimension_numbers<[1], [0], [0], [1], [0, 0, 1, 1], [], []>, transpose_lhs_hint = false} : vector<512x128xf32>, vector<128x128xf32>, vector<512x128xf32> -> vector<512x128xf32>
    %get3A_51 = arith.constant 0 : index
    %get3A_52 = vector.load %arg9[%get3A_51] : memref<128xf32, #tpu.memory_space<vmem>>, vector<128xf32>
    %broadcast_in_dim3A_53 = vector.shape_cast %get3A_52 : vector<128xf32> to vector<1x128xf32>
    %add3A_54 = vector.broadcast %broadcast_in_dim3A_53 : vector<1x128xf32> to vector<512x128xf32>
    %add3A_55 = arith.addf %dot_general3A_50, %add3A_54 : vector<512x128xf32>
    %swap3A = arith.constant 0 : index
    %swap3A_56 = arith.constant 0 : index
    %swap3A_57 = vector.load %arg12[%swap3A, %swap3A_56] : memref<512x128xf32, #tpu.memory_space<vmem>>, vector<512x128xf32>
    tpu.vector_store %arg12[%swap3A, %swap3A_56], %add3A_35 {strides = array<i32>} : memref<512x128xf32, #tpu.memory_space<vmem>>, vector<512x128xf32>,
    %get3A_58 = arith.constant 0 : index
    %get3A_59 = arith.constant 0 : index
    %get3A_60 = vector.load %arg10[%get3A_58, %get3A_59] : memref<128x128xf32, #tpu.memory_space<vmem>>, vector<128x128xf32>
    %dot_general3A_61 = arith.constant dense<0.000000e+00> : vector<512x128xf32>
    %dot_general3A_62 = tpu.matmul %add3A_45, %get3A_60, %dot_general3A_61 {dimension_numbers = #tpu.dot_dimension_numbers<[1], [0], [0], [1], [0, 0, 1, 1], [], []>, transpose_lhs_hint = false} : vector<512x128xf32>, vector<128x128xf32>, vector<512x128xf32> -> vector<512x128xf32>
    %swap3A_63 = arith.constant 0 : index
    %swap3A_64 = arith.constant 0 : index
    %swap3A_65 = vector.load %arg13[%swap3A_63, %swap3A_64] : memref<512x256xf32, #tpu.memory_space<vmem>>, vector<512x128xf32>
    tpu.vector_store %arg13[%swap3A_63, %swap3A_64], %dot_general3A_62 {strides = array<i32>} : memref<512x256xf32, #tpu.memory_space<vmem>>, vector<512x128xf32>,
    %get3A_66 = arith.constant 0 : index
    %get3A_67 = arith.constant 0 : index
    %get3A_68 = vector.load %arg11[%get3A_66, %get3A_67] : memref<128x128xf32, #tpu.memory_space<vmem>>, vector<128x128xf32>
    %dot_general3A_69 = arith.constant dense<0.000000e+00> : vector<512x128xf32>
    %dot_general3A_70 = tpu.matmul %add3A_55, %get3A_68, %dot_general3A_69 {dimension_numbers = #tpu.dot_dimension_numbers<[1], [0], [0], [1], [0, 0, 1, 1], [], []>, transpose_lhs_hint = false} : vector<512x128xf32>, vector<128x128xf32>, vector<512x128xf32> -> vector<512x128xf32>
    %swap3A_71 = arith.constant 0 : index
    %swap3A_72 = arith.constant 128 : index
    %swap3A_73 = vector.load %arg13[%swap3A_71, %swap3A_72] : memref<512x256xf32, #tpu.memory_space<vmem>>, vector<512x128xf32>
    tpu.vector_store %arg13[%swap3A_71, %swap3A_72], %dot_general3A_70 {strides = array<i32>} : memref<512x256xf32, #tpu.memory_space<vmem>>, vector<512x128xf32>,
    return
  }
  func.func @transform_0(%arg0: i32) -> (i32, i32) {
    %c0_i32 = arith.constant 0 : i32
    %c0_i32_0 = arith.constant 0 : i32
    return %arg0, %c0_i32 : i32, i32
  }
  func.func @transform_1(%arg0: i32) -> i32 {
    %c0_i32 = arith.constant 0 : i32
    %c0_i32_0 = arith.constant 0 : i32
    return %c0_i32 : i32
  }
  func.func @transform_2(%arg0: i32) -> i32 {
    %c0_i32 = arith.constant 0 : i32
    %c0_i32_0 = arith.constant 0 : i32
    return %c0_i32 : i32
  }
  func.func @transform_3(%arg0: i32) -> (i32, i32) {
    %c0_i32 = arith.constant 0 : i32
    %c0_i32_0 = arith.constant 0 : i32
    %c0_i32_1 = arith.constant 0 : i32
    return %c0_i32, %c0_i32_0 : i32, i32
  }
  func.func @transform_4(%arg0: i32) -> i32 {
    %c0_i32 = arith.constant 0 : i32
    %c0_i32_0 = arith.constant 0 : i32
    return %c0_i32 : i32
  }
  func.func @transform_5(%arg0: i32) -> (i32, i32) {
    %c0_i32 = arith.constant 0 : i32
    %c0_i32_0 = arith.constant 0 : i32
    %c0_i32_1 = arith.constant 0 : i32
    return %c0_i32, %c0_i32_0 : i32, i32
  }
  func.func @transform_6(%arg0: i32) -> i32 {
    %c0_i32 = arith.constant 0 : i32
    %c0_i32_0 = arith.constant 0 : i32
    return %c0_i32 : i32
  }
  func.func @transform_7(%arg0: i32) -> (i32, i32) {
    %c0_i32 = arith.constant 0 : i32
    %c0_i32_0 = arith.constant 0 : i32
    %c0_i32_1 = arith.constant 0 : i32
    return %c0_i32, %c0_i32_0 : i32, i32
  }
  func.func @transform_8(%arg0: i32) -> i32 {
    %c0_i32 = arith.constant 0 : i32
    %c0_i32_0 = arith.constant 0 : i32
    return %c0_i32 : i32
  }
  func.func @transform_9(%arg0: i32) -> (i32, i32) {
    %c0_i32 = arith.constant 0 : i32
    %c0_i32_0 = arith.constant 0 : i32
    %c0_i32_1 = arith.constant 0 : i32
    return %c0_i32, %c0_i32_0 : i32, i32
  }
  func.func @transform_10(%arg0: i32) -> (i32, i32) {
    %c0_i32 = arith.constant 0 : i32
    %c0_i32_0 = arith.constant 0 : i32
    %c0_i32_1 = arith.constant 0 : i32
    return %c0_i32, %c0_i32_0 : i32, i32
  }
  func.func @transform_11(%arg0: i32) -> (i32, i32) {
    %c0_i32 = arith.constant 0 : i32
    %c0_i32_0 = arith.constant 0 : i32
    return %arg0, %c0_i32 : i32, i32
  }
  func.func @transform_12(%arg0: i32) -> (i32, i32) {
    %c0_i32 = arith.constant 0 : i32
    %c0_i32_0 = arith.constant 0 : i32
    return %arg0, %c0_i32 : i32, i32
  }
}

module attributes {stable_mosaic.version = 14 : i64} {
  func.func @_edge_math_body(%arg0: i32, %arg1: memref<1024x256xf32, #tpu.memory_space<vmem>>, %arg2: memref<1024x128xf32, #tpu.memory_space<vmem>>, %arg3: memref<1024x16xf32, #tpu.memory_space<vmem>>, %arg4: memref<16xf32, #tpu.memory_space<vmem>>, %arg5: memref<16xf32, #tpu.memory_space<vmem>>, %arg6: memref<16x128xf32, #tpu.memory_space<vmem>>, %arg7: memref<128xf32, #tpu.memory_space<vmem>>, %arg8: memref<16x128xf32, #tpu.memory_space<vmem>>, %arg9: memref<128xf32, #tpu.memory_space<vmem>>, %arg10: memref<1x128xf32, #tpu.memory_space<vmem>>, %arg11: memref<1024x128xf32, #tpu.memory_space<vmem>>, %arg12: memref<1024x128xf32, #tpu.memory_space<vmem>>) attributes {dimension_semantics = [#tpu.dimension_semantics<arbitrary>], iteration_bounds = array<i64: 316>, scalar_prefetch = 0 : i64, scratch_operands = 0 : i64, tpu.core_type = #tpu.core_type<tc>, window_params = [{transform_indices = @transform_0, window_bounds = array<i64: 1024, 256>}, {transform_indices = @transform_1, window_bounds = array<i64: 1024, 128>}, {transform_indices = @transform_2, window_bounds = array<i64: 1024, 16>}, {pipeline_mode = #tpu.pipeline_mode<synchronous>, transform_indices = @transform_3, window_bounds = array<i64: 16>}, {pipeline_mode = #tpu.pipeline_mode<synchronous>, transform_indices = @transform_4, window_bounds = array<i64: 16>}, {pipeline_mode = #tpu.pipeline_mode<synchronous>, transform_indices = @transform_5, window_bounds = array<i64: 16, 128>}, {pipeline_mode = #tpu.pipeline_mode<synchronous>, transform_indices = @transform_6, window_bounds = array<i64: 128>}, {pipeline_mode = #tpu.pipeline_mode<synchronous>, transform_indices = @transform_7, window_bounds = array<i64: 16, 128>}, {pipeline_mode = #tpu.pipeline_mode<synchronous>, transform_indices = @transform_8, window_bounds = array<i64: 128>}, {pipeline_mode = #tpu.pipeline_mode<synchronous>, transform_indices = @transform_9, window_bounds = array<i64: 1, 128>}, {transform_indices = @transform_10, window_bounds = array<i64: 1024, 128>}, {transform_indices = @transform_11, window_bounds = array<i64: 1024, 128>}]} {
    %get3A = arith.constant 0 : index
    %get3A_0 = arith.constant 0 : index
    %get3A_1 = vector.load %arg3[%get3A, %get3A_0] : memref<1024x16xf32, #tpu.memory_space<vmem>>, vector<1024x16xf32>
    %get3A_2 = arith.constant 0 : index
    %get3A_3 = vector.load %arg4[%get3A_2] : memref<16xf32, #tpu.memory_space<vmem>>, vector<16xf32>
    %get3A_4 = arith.constant 0 : index
    %get3A_5 = vector.load %arg5[%get3A_4] : memref<16xf32, #tpu.memory_space<vmem>>, vector<16xf32>
    %reduce_sum3A = arith.constant dense<0.000000e+00> : vector<1024xf32>
    %reduce_sum3A_6 = vector.multi_reduction <add>, %get3A_1, %reduce_sum3A [1] : vector<1024x16xf32> to vector<1024xf32>
    %broadcast_in_dim3A = vector.shape_cast %reduce_sum3A_6 : vector<1024xf32> to vector<1024x1xf32>
    %div3A = arith.constant 1.600000e+01 : f32
    %div3A_7 = vector.broadcast %div3A : f32 to vector<1024x1xf32>
    %div3A_8 = arith.divf %broadcast_in_dim3A, %div3A_7 : vector<1024x1xf32>
    %sub3A = vector.broadcast %div3A_8 : vector<1024x1xf32> to vector<1024x16xf32>
    %sub3A_9 = arith.subf %get3A_1, %sub3A : vector<1024x16xf32>
    %integer_pow3A = arith.mulf %sub3A_9, %sub3A_9 : vector<1024x16xf32>
    %reduce_sum3A_10 = arith.constant dense<0.000000e+00> : vector<1024xf32>
    %reduce_sum3A_11 = vector.multi_reduction <add>, %integer_pow3A, %reduce_sum3A_10 [1] : vector<1024x16xf32> to vector<1024xf32>
    %broadcast_in_dim3A_12 = vector.shape_cast %reduce_sum3A_11 : vector<1024xf32> to vector<1024x1xf32>
    %div3A_13 = arith.constant 1.600000e+01 : f32
    %div3A_14 = vector.broadcast %div3A_13 : f32 to vector<1024x1xf32>
    %div3A_15 = arith.divf %broadcast_in_dim3A_12, %div3A_14 : vector<1024x1xf32>
    %sub3A_16 = vector.broadcast %div3A_8 : vector<1024x1xf32> to vector<1024x16xf32>
    %sub3A_17 = arith.subf %get3A_1, %sub3A_16 : vector<1024x16xf32>
    %add3A = arith.constant 9.99999974E-6 : f32
    %add3A_18 = vector.broadcast %add3A : f32 to vector<1024x1xf32>
    %add3A_19 = arith.addf %div3A_15, %add3A_18 : vector<1024x1xf32>
    %sqrt3A = math.sqrt %add3A_19 : vector<1024x1xf32>
    %div3A_20 = vector.broadcast %sqrt3A : vector<1024x1xf32> to vector<1024x16xf32>
    %div3A_21 = arith.divf %sub3A_17, %div3A_20 : vector<1024x16xf32>
    %broadcast_in_dim3A_22 = vector.shape_cast %get3A_3 : vector<16xf32> to vector<1x16xf32>
    %mul3A = vector.broadcast %broadcast_in_dim3A_22 : vector<1x16xf32> to vector<1024x16xf32>
    %mul3A_23 = arith.mulf %div3A_21, %mul3A : vector<1024x16xf32>
    %broadcast_in_dim3A_24 = vector.shape_cast %get3A_5 : vector<16xf32> to vector<1x16xf32>
    %add3A_25 = vector.broadcast %broadcast_in_dim3A_24 : vector<1x16xf32> to vector<1024x16xf32>
    %add3A_26 = arith.addf %mul3A_23, %add3A_25 : vector<1024x16xf32>
    %get3A_27 = arith.constant 0 : index
    %get3A_28 = arith.constant 0 : index
    %get3A_29 = vector.load %arg6[%get3A_27, %get3A_28] : memref<16x128xf32, #tpu.memory_space<vmem>>, vector<16x128xf32>
    %dot_general3A = arith.constant dense<0.000000e+00> : vector<1024x128xf32>
    %dot_general3A_30 = tpu.matmul %add3A_26, %get3A_29, %dot_general3A {dimension_numbers = #tpu.dot_dimension_numbers<[1], [0], [0], [1], [0, 0, 1, 1], [], []>, transpose_lhs_hint = false} : vector<1024x16xf32>, vector<16x128xf32>, vector<1024x128xf32> -> vector<1024x128xf32>
    %get3A_31 = arith.constant 0 : index
    %get3A_32 = vector.load %arg7[%get3A_31] : memref<128xf32, #tpu.memory_space<vmem>>, vector<128xf32>
    %broadcast_in_dim3A_33 = vector.shape_cast %get3A_32 : vector<128xf32> to vector<1x128xf32>
    %add3A_34 = vector.broadcast %broadcast_in_dim3A_33 : vector<1x128xf32> to vector<1024x128xf32>
    %add3A_35 = arith.addf %dot_general3A_30, %add3A_34 : vector<1024x128xf32>
    %get3A_36 = arith.constant 0 : index
    %get3A_37 = arith.constant 0 : index
    %get3A_38 = vector.load %arg8[%get3A_36, %get3A_37] : memref<16x128xf32, #tpu.memory_space<vmem>>, vector<16x128xf32>
    %dot_general3A_39 = arith.constant dense<0.000000e+00> : vector<1024x128xf32>
    %dot_general3A_40 = tpu.matmul %add3A_26, %get3A_38, %dot_general3A_39 {dimension_numbers = #tpu.dot_dimension_numbers<[1], [0], [0], [1], [0, 0, 1, 1], [], []>, transpose_lhs_hint = false} : vector<1024x16xf32>, vector<16x128xf32>, vector<1024x128xf32> -> vector<1024x128xf32>
    %get3A_41 = arith.constant 0 : index
    %get3A_42 = vector.load %arg9[%get3A_41] : memref<128xf32, #tpu.memory_space<vmem>>, vector<128xf32>
    %broadcast_in_dim3A_43 = vector.shape_cast %get3A_42 : vector<128xf32> to vector<1x128xf32>
    %add3A_44 = vector.broadcast %broadcast_in_dim3A_43 : vector<1x128xf32> to vector<1024x128xf32>
    %add3A_45 = arith.addf %dot_general3A_40, %add3A_44 : vector<1024x128xf32>
    %get3A_46 = arith.constant 0 : index
    %get3A_47 = arith.constant 0 : index
    %get3A_48 = vector.load %arg1[%get3A_46, %get3A_47] : memref<1024x256xf32, #tpu.memory_space<vmem>>, vector<1024x128xf32>
    %get3A_49 = arith.constant 0 : index
    %get3A_50 = arith.constant 128 : index
    %get3A_51 = vector.load %arg1[%get3A_49, %get3A_50] : memref<1024x256xf32, #tpu.memory_space<vmem>>, vector<1024x128xf32>
    %get3A_52 = arith.constant 0 : index
    %get3A_53 = arith.constant 0 : index
    %get3A_54 = vector.load %arg2[%get3A_52, %get3A_53] : memref<1024x128xf32, #tpu.memory_space<vmem>>, vector<1024x128xf32>
    %add3A_55 = arith.addf %get3A_48, %add3A_35 : vector<1024x128xf32>
    %mul3A_56 = arith.mulf %get3A_54, %add3A_55 : vector<1024x128xf32>
    %iota3A = tpu.iota {dimensions = array<i32: 0>} : vector<128x128xi32>
    %iota3A_57 = tpu.iota {dimensions = array<i32: 1>} : vector<128x128xi32>
    %jit3A = arith.constant 32 : i32
    %div3A_58 = vector.broadcast %jit3A : i32 to vector<128x128xi32>
    %div3A_59 = arith.divsi %iota3A, %div3A_58 : vector<128x128xi32>
    %sign3A = arith.constant 0 : i32
    %sign3A_60 = vector.broadcast %sign3A : i32 to vector<128x128xi32>
    %sign3A_61 = arith.cmpi sgt, %iota3A, %sign3A_60 : vector<128x128xi32>
    %sign3A_62 = arith.extui %sign3A_61 : vector<128x128xi1> to vector<128x128xi32>
    %sign3A_63 = arith.constant 0 : i32
    %sign3A_64 = vector.broadcast %sign3A_63 : i32 to vector<128x128xi32>
    %sign3A_65 = arith.cmpi slt, %iota3A, %sign3A_64 : vector<128x128xi32>
    %sign3A_66 = arith.extui %sign3A_65 : vector<128x128xi1> to vector<128x128xi32>
    %sign3A_67 = arith.subi %sign3A_62, %sign3A_66 : vector<128x128xi32>
    %sign3A_68 = arith.constant 0 : i32
    %sign3A_69 = arith.cmpi sgt, %jit3A, %sign3A_68 : i32
    %sign3A_70 = arith.extui %sign3A_69 : i1 to i32
    %sign3A_71 = arith.constant 0 : i32
    %sign3A_72 = arith.cmpi slt, %jit3A, %sign3A_71 : i32
    %sign3A_73 = arith.extui %sign3A_72 : i1 to i32
    %sign3A_74 = arith.subi %sign3A_70, %sign3A_73 : i32
    %ne3A = vector.broadcast %sign3A_74 : i32 to vector<128x128xi32>
    %ne3A_75 = arith.cmpi ne, %sign3A_67, %ne3A : vector<128x128xi32>
    %rem3A = vector.broadcast %jit3A : i32 to vector<128x128xi32>
    %rem3A_76 = arith.remsi %iota3A, %rem3A : vector<128x128xi32>
    %ne3A_77 = arith.constant 0 : i32
    %ne3A_78 = vector.broadcast %ne3A_77 : i32 to vector<128x128xi32>
    %ne3A_79 = arith.cmpi ne, %rem3A_76, %ne3A_78 : vector<128x128xi32>
    %and3A = arith.andi %ne3A_75, %ne3A_79 : vector<128x128xi1>
    %sub3A_80 = arith.constant 1 : i32
    %sub3A_81 = vector.broadcast %sub3A_80 : i32 to vector<128x128xi32>
    %sub3A_82 = arith.subi %div3A_59, %sub3A_81 : vector<128x128xi32>
    %select_n3A = arith.select %and3A, %sub3A_82, %div3A_59 : vector<128x128xi1>, vector<128x128xi32>
    %eq3A = arith.cmpi eq, %select_n3A, %iota3A_57 : vector<128x128xi32>
    %convert_element_type3A = arith.extui %eq3A : vector<128x128xi1> to vector<128x128xi32>
    %convert_element_type3A_83 = arith.sitofp %convert_element_type3A : vector<128x128xi32> to vector<128x128xf32>
    %jit3A_84 = arith.constant 32 : i32
    %div3A_85 = vector.broadcast %jit3A_84 : i32 to vector<128x128xi32>
    %div3A_86 = arith.divsi %iota3A_57, %div3A_85 : vector<128x128xi32>
    %sign3A_87 = arith.constant 0 : i32
    %sign3A_88 = vector.broadcast %sign3A_87 : i32 to vector<128x128xi32>
    %sign3A_89 = arith.cmpi sgt, %iota3A_57, %sign3A_88 : vector<128x128xi32>
    %sign3A_90 = arith.extui %sign3A_89 : vector<128x128xi1> to vector<128x128xi32>
    %sign3A_91 = arith.constant 0 : i32
    %sign3A_92 = vector.broadcast %sign3A_91 : i32 to vector<128x128xi32>
    %sign3A_93 = arith.cmpi slt, %iota3A_57, %sign3A_92 : vector<128x128xi32>
    %sign3A_94 = arith.extui %sign3A_93 : vector<128x128xi1> to vector<128x128xi32>
    %sign3A_95 = arith.subi %sign3A_90, %sign3A_94 : vector<128x128xi32>
    %sign3A_96 = arith.constant 0 : i32
    %sign3A_97 = arith.cmpi sgt, %jit3A_84, %sign3A_96 : i32
    %sign3A_98 = arith.extui %sign3A_97 : i1 to i32
    %sign3A_99 = arith.constant 0 : i32
    %sign3A_100 = arith.cmpi slt, %jit3A_84, %sign3A_99 : i32
    %sign3A_101 = arith.extui %sign3A_100 : i1 to i32
    %sign3A_102 = arith.subi %sign3A_98, %sign3A_101 : i32
    %ne3A_103 = vector.broadcast %sign3A_102 : i32 to vector<128x128xi32>
    %ne3A_104 = arith.cmpi ne, %sign3A_95, %ne3A_103 : vector<128x128xi32>
    %rem3A_105 = vector.broadcast %jit3A_84 : i32 to vector<128x128xi32>
    %rem3A_106 = arith.remsi %iota3A_57, %rem3A_105 : vector<128x128xi32>
    %ne3A_107 = arith.constant 0 : i32
    %ne3A_108 = vector.broadcast %ne3A_107 : i32 to vector<128x128xi32>
    %ne3A_109 = arith.cmpi ne, %rem3A_106, %ne3A_108 : vector<128x128xi32>
    %and3A_110 = arith.andi %ne3A_104, %ne3A_109 : vector<128x128xi1>
    %sub3A_111 = arith.constant 1 : i32
    %sub3A_112 = vector.broadcast %sub3A_111 : i32 to vector<128x128xi32>
    %sub3A_113 = arith.subi %div3A_86, %sub3A_112 : vector<128x128xi32>
    %select_n3A_114 = arith.select %and3A_110, %sub3A_113, %div3A_86 : vector<128x128xi1>, vector<128x128xi32>
    %eq3A_115 = arith.cmpi eq, %iota3A, %select_n3A_114 : vector<128x128xi32>
    %convert_element_type3A_116 = arith.extui %eq3A_115 : vector<128x128xi1> to vector<128x128xi32>
    %convert_element_type3A_117 = arith.sitofp %convert_element_type3A_116 : vector<128x128xi32> to vector<128x128xf32>
    %dot_general3A_118 = arith.constant dense<0.000000e+00> : vector<1024x128xf32>
    %dot_general3A_119 = tpu.matmul %mul3A_56, %convert_element_type3A_83, %dot_general3A_118 {dimension_numbers = #tpu.dot_dimension_numbers<[1], [0], [0], [1], [0, 0, 1, 1], [], []>, transpose_lhs_hint = false} : vector<1024x128xf32>, vector<128x128xf32>, vector<1024x128xf32> -> vector<1024x128xf32>
    %mul3A_120 = arith.constant 0.176776692 : f32
    %mul3A_121 = vector.broadcast %mul3A_120 : f32 to vector<1024x128xf32>
    %mul3A_122 = arith.mulf %dot_general3A_119, %mul3A_121 : vector<1024x128xf32>
    %get3A_123 = arith.constant 0 : index
    %get3A_124 = arith.constant 0 : index
    %get3A_125 = vector.load %arg10[%get3A_123, %get3A_124] : memref<1x128xf32, #tpu.memory_space<vmem>>, vector<1x128xf32>
    %add3A_126 = vector.broadcast %get3A_125 : vector<1x128xf32> to vector<1024x128xf32>
    %add3A_127 = arith.addf %mul3A_122, %add3A_126 : vector<1024x128xf32>
    %iota3A_128 = tpu.iota {dimensions = array<i32: 1>} : vector<1024x128xi32>
    %exp3A = math.exp %add3A_127 : vector<1024x128xf32>
    %lt3A = arith.constant 4 : i32
    %lt3A_129 = vector.broadcast %lt3A : i32 to vector<1024x128xi32>
    %lt3A_130 = arith.cmpi slt, %iota3A_128, %lt3A_129 : vector<1024x128xi32>
    %convert_element_type3A_131 = arith.extui %lt3A_130 : vector<1024x128xi1> to vector<1024x128xi32>
    %convert_element_type3A_132 = arith.sitofp %convert_element_type3A_131 : vector<1024x128xi32> to vector<1024x128xf32>
    %mul3A_133 = arith.mulf %exp3A, %convert_element_type3A_132 : vector<1024x128xf32>
    %dot_general3A_134 = arith.constant dense<0.000000e+00> : vector<1024x128xf32>
    %dot_general3A_135 = tpu.matmul %mul3A_133, %convert_element_type3A_117, %dot_general3A_134 {dimension_numbers = #tpu.dot_dimension_numbers<[1], [0], [0], [1], [0, 0, 1, 1], [], []>, transpose_lhs_hint = false} : vector<1024x128xf32>, vector<128x128xf32>, vector<1024x128xf32> -> vector<1024x128xf32>
    %logistic3A = arith.negf %add3A_45 : vector<1024x128xf32>
    %logistic3A_136 = math.exp %logistic3A : vector<1024x128xf32>
    %logistic3A_137 = arith.constant 1.000000e+00 : f32
    %logistic3A_138 = vector.broadcast %logistic3A_137 : f32 to vector<1024x128xf32>
    %logistic3A_139 = arith.addf %logistic3A_138, %logistic3A_136 : vector<1024x128xf32>
    %logistic3A_140 = arith.divf %logistic3A_138, %logistic3A_139 : vector<1024x128xf32>
    %mul3A_141 = arith.mulf %get3A_51, %logistic3A_140 : vector<1024x128xf32>
    %mul3A_142 = arith.mulf %dot_general3A_135, %mul3A_141 : vector<1024x128xf32>
    %swap3A = arith.constant 0 : index
    %swap3A_143 = arith.constant 0 : index
    %swap3A_144 = vector.load %arg11[%swap3A, %swap3A_143] : memref<1024x128xf32, #tpu.memory_space<vmem>>, vector<1024x128xf32>
    tpu.vector_store %arg11[%swap3A, %swap3A_143], %mul3A_142 {strides = array<i32>} : memref<1024x128xf32, #tpu.memory_space<vmem>>, vector<1024x128xf32>,
    %swap3A_145 = arith.constant 0 : index
    %swap3A_146 = arith.constant 0 : index
    %swap3A_147 = vector.load %arg12[%swap3A_145, %swap3A_146] : memref<1024x128xf32, #tpu.memory_space<vmem>>, vector<1024x128xf32>
    tpu.vector_store %arg12[%swap3A_145, %swap3A_146], %dot_general3A_135 {strides = array<i32>} : memref<1024x128xf32, #tpu.memory_space<vmem>>, vector<1024x128xf32>,
    return
  }
  func.func @transform_0(%arg0: i32) -> (i32, i32) {
    %c0_i32 = arith.constant 0 : i32
    %c0_i32_0 = arith.constant 0 : i32
    return %arg0, %c0_i32 : i32, i32
  }
  func.func @transform_1(%arg0: i32) -> (i32, i32) {
    %c0_i32 = arith.constant 0 : i32
    %c0_i32_0 = arith.constant 0 : i32
    return %arg0, %c0_i32 : i32, i32
  }
  func.func @transform_2(%arg0: i32) -> (i32, i32) {
    %c0_i32 = arith.constant 0 : i32
    %c0_i32_0 = arith.constant 0 : i32
    return %arg0, %c0_i32 : i32, i32
  }
  func.func @transform_3(%arg0: i32) -> i32 {
    %c0_i32 = arith.constant 0 : i32
    %c0_i32_0 = arith.constant 0 : i32
    return %c0_i32 : i32
  }
  func.func @transform_4(%arg0: i32) -> i32 {
    %c0_i32 = arith.constant 0 : i32
    %c0_i32_0 = arith.constant 0 : i32
    return %c0_i32 : i32
  }
  func.func @transform_5(%arg0: i32) -> (i32, i32) {
    %c0_i32 = arith.constant 0 : i32
    %c0_i32_0 = arith.constant 0 : i32
    %c0_i32_1 = arith.constant 0 : i32
    return %c0_i32, %c0_i32_0 : i32, i32
  }
  func.func @transform_6(%arg0: i32) -> i32 {
    %c0_i32 = arith.constant 0 : i32
    %c0_i32_0 = arith.constant 0 : i32
    return %c0_i32 : i32
  }
  func.func @transform_7(%arg0: i32) -> (i32, i32) {
    %c0_i32 = arith.constant 0 : i32
    %c0_i32_0 = arith.constant 0 : i32
    %c0_i32_1 = arith.constant 0 : i32
    return %c0_i32, %c0_i32_0 : i32, i32
  }
  func.func @transform_8(%arg0: i32) -> i32 {
    %c0_i32 = arith.constant 0 : i32
    %c0_i32_0 = arith.constant 0 : i32
    return %c0_i32 : i32
  }
  func.func @transform_9(%arg0: i32) -> (i32, i32) {
    %c0_i32 = arith.constant 0 : i32
    %c0_i32_0 = arith.constant 0 : i32
    %c0_i32_1 = arith.constant 0 : i32
    return %c0_i32, %c0_i32_0 : i32, i32
  }
  func.func @transform_10(%arg0: i32) -> (i32, i32) {
    %c0_i32 = arith.constant 0 : i32
    %c0_i32_0 = arith.constant 0 : i32
    return %arg0, %c0_i32 : i32, i32
  }
  func.func @transform_11(%arg0: i32) -> (i32, i32) {
    %c0_i32 = arith.constant 0 : i32
    %c0_i32_0 = arith.constant 0 : i32
    return %arg0, %c0_i32 : i32, i32
  }
}

module attributes {stable_mosaic.version = 14 : i64} {
  func.func @_final_body(%arg0: i32, %arg1: memref<2x512x128xf32, #tpu.memory_space<vmem>>, %arg2: memref<2x512x128xf32, #tpu.memory_space<vmem>>, %arg3: memref<512x128xf32, #tpu.memory_space<vmem>>, %arg4: memref<1x128xf32, #tpu.memory_space<vmem>>, %arg5: memref<128x128xf32, #tpu.memory_space<vmem>>, %arg6: memref<128xf32, #tpu.memory_space<vmem>>, %arg7: memref<128xf32, #tpu.memory_space<vmem>>, %arg8: memref<128xf32, #tpu.memory_space<vmem>>, %arg9: memref<128x256xf32, #tpu.memory_space<vmem>>, %arg10: memref<256xf32, #tpu.memory_space<vmem>>, %arg11: memref<256x128xf32, #tpu.memory_space<vmem>>, %arg12: memref<128xf32, #tpu.memory_space<vmem>>, %arg13: memref<512x128xf32, #tpu.memory_space<vmem>>) attributes {dimension_semantics = [#tpu.dimension_semantics<arbitrary>], iteration_bounds = array<i64: 20>, scalar_prefetch = 0 : i64, scratch_operands = 0 : i64, tpu.core_type = #tpu.core_type<tc>, window_params = [{transform_indices = @transform_0, window_bounds = array<i64: 2, 512, 128>}, {transform_indices = @transform_1, window_bounds = array<i64: 2, 512, 128>}, {transform_indices = @transform_2, window_bounds = array<i64: 512, 128>}, {pipeline_mode = #tpu.pipeline_mode<synchronous>, transform_indices = @transform_3, window_bounds = array<i64: 1, 128>}, {pipeline_mode = #tpu.pipeline_mode<synchronous>, transform_indices = @transform_4, window_bounds = array<i64: 128, 128>}, {pipeline_mode = #tpu.pipeline_mode<synchronous>, transform_indices = @transform_5, window_bounds = array<i64: 128>}, {pipeline_mode = #tpu.pipeline_mode<synchronous>, transform_indices = @transform_6, window_bounds = array<i64: 128>}, {pipeline_mode = #tpu.pipeline_mode<synchronous>, transform_indices = @transform_7, window_bounds = array<i64: 128>}, {pipeline_mode = #tpu.pipeline_mode<synchronous>, transform_indices = @transform_8, window_bounds = array<i64: 128, 256>}, {pipeline_mode = #tpu.pipeline_mode<synchronous>, transform_indices = @transform_9, window_bounds = array<i64: 256>}, {pipeline_mode = #tpu.pipeline_mode<synchronous>, transform_indices = @transform_10, window_bounds = array<i64: 256, 128>}, {pipeline_mode = #tpu.pipeline_mode<synchronous>, transform_indices = @transform_11, window_bounds = array<i64: 128>}, {transform_indices = @transform_12, window_bounds = array<i64: 512, 128>}]} {
    %get3A = arith.constant 0 : index
    %get3A_0 = arith.constant 0 : index
    %get3A_1 = arith.constant 0 : index
    %get3A_2 = vector.load %arg1[%get3A, %get3A_0, %get3A_1] : memref<2x512x128xf32, #tpu.memory_space<vmem>>, vector<1x512x128xf32>
    %get3A_3 = vector.shape_cast %get3A_2 : vector<1x512x128xf32> to vector<512x128xf32>
    %get3A_4 = arith.constant 1 : index
    %get3A_5 = arith.constant 0 : index
    %get3A_6 = arith.constant 0 : index
    %get3A_7 = vector.load %arg1[%get3A_4, %get3A_5, %get3A_6] : memref<2x512x128xf32, #tpu.memory_space<vmem>>, vector<1x512x128xf32>
    %get3A_8 = vector.shape_cast %get3A_7 : vector<1x512x128xf32> to vector<512x128xf32>
    %add3A = arith.addf %get3A_3, %get3A_8 : vector<512x128xf32>
    %get3A_9 = arith.constant 0 : index
    %get3A_10 = arith.constant 0 : index
    %get3A_11 = arith.constant 0 : index
    %get3A_12 = vector.load %arg2[%get3A_9, %get3A_10, %get3A_11] : memref<2x512x128xf32, #tpu.memory_space<vmem>>, vector<1x512x128xf32>
    %get3A_13 = vector.shape_cast %get3A_12 : vector<1x512x128xf32> to vector<512x128xf32>
    %get3A_14 = arith.constant 1 : index
    %get3A_15 = arith.constant 0 : index
    %get3A_16 = arith.constant 0 : index
    %get3A_17 = vector.load %arg2[%get3A_14, %get3A_15, %get3A_16] : memref<2x512x128xf32, #tpu.memory_space<vmem>>, vector<1x512x128xf32>
    %get3A_18 = vector.shape_cast %get3A_17 : vector<1x512x128xf32> to vector<512x128xf32>
    %add3A_19 = arith.addf %get3A_13, %get3A_18 : vector<512x128xf32>
    %add3A_20 = arith.constant 1.000000e-16 : f32
    %add3A_21 = vector.broadcast %add3A_20 : f32 to vector<512x128xf32>
    %add3A_22 = arith.addf %add3A_19, %add3A_21 : vector<512x128xf32>
    %div3A = arith.divf %add3A, %add3A_22 : vector<512x128xf32>
    %get3A_23 = arith.constant 0 : index
    %get3A_24 = arith.constant 0 : index
    %get3A_25 = vector.load %arg5[%get3A_23, %get3A_24] : memref<128x128xf32, #tpu.memory_space<vmem>>, vector<128x128xf32>
    %dot_general3A = arith.constant dense<0.000000e+00> : vector<512x128xf32>
    %dot_general3A_26 = tpu.matmul %div3A, %get3A_25, %dot_general3A {dimension_numbers = #tpu.dot_dimension_numbers<[1], [0], [0], [1], [0, 0, 1, 1], [], []>, transpose_lhs_hint = false} : vector<512x128xf32>, vector<128x128xf32>, vector<512x128xf32> -> vector<512x128xf32>
    %get3A_27 = arith.constant 0 : index
    %get3A_28 = vector.load %arg6[%get3A_27] : memref<128xf32, #tpu.memory_space<vmem>>, vector<128xf32>
    %broadcast_in_dim3A = vector.shape_cast %get3A_28 : vector<128xf32> to vector<1x128xf32>
    %add3A_29 = vector.broadcast %broadcast_in_dim3A : vector<1x128xf32> to vector<512x128xf32>
    %add3A_30 = arith.addf %dot_general3A_26, %add3A_29 : vector<512x128xf32>
    %get3A_31 = arith.constant 0 : index
    %get3A_32 = arith.constant 0 : index
    %get3A_33 = vector.load %arg4[%get3A_31, %get3A_32] : memref<1x128xf32, #tpu.memory_space<vmem>>, vector<1x128xf32>
    %logistic3A = arith.negf %get3A_33 : vector<1x128xf32>
    %logistic3A_34 = math.exp %logistic3A : vector<1x128xf32>
    %logistic3A_35 = arith.constant 1.000000e+00 : f32
    %logistic3A_36 = vector.broadcast %logistic3A_35 : f32 to vector<1x128xf32>
    %logistic3A_37 = arith.addf %logistic3A_36, %logistic3A_34 : vector<1x128xf32>
    %logistic3A_38 = arith.divf %logistic3A_36, %logistic3A_37 : vector<1x128xf32>
    %mul3A = vector.broadcast %logistic3A_38 : vector<1x128xf32> to vector<512x128xf32>
    %mul3A_39 = arith.mulf %mul3A, %add3A_30 : vector<512x128xf32>
    %sub3A = arith.constant 1.000000e+00 : f32
    %sub3A_40 = vector.broadcast %sub3A : f32 to vector<1x128xf32>
    %sub3A_41 = arith.subf %sub3A_40, %logistic3A_38 : vector<1x128xf32>
    %get3A_42 = arith.constant 0 : index
    %get3A_43 = arith.constant 0 : index
    %get3A_44 = vector.load %arg3[%get3A_42, %get3A_43] : memref<512x128xf32, #tpu.memory_space<vmem>>, vector<512x128xf32>
    %mul3A_45 = vector.broadcast %sub3A_41 : vector<1x128xf32> to vector<512x128xf32>
    %mul3A_46 = arith.mulf %mul3A_45, %get3A_44 : vector<512x128xf32>
    %add3A_47 = arith.addf %mul3A_39, %mul3A_46 : vector<512x128xf32>
    %get3A_48 = arith.constant 0 : index
    %get3A_49 = vector.load %arg7[%get3A_48] : memref<128xf32, #tpu.memory_space<vmem>>, vector<128xf32>
    %get3A_50 = arith.constant 0 : index
    %get3A_51 = vector.load %arg8[%get3A_50] : memref<128xf32, #tpu.memory_space<vmem>>, vector<128xf32>
    %reduce_sum3A = arith.constant dense<0.000000e+00> : vector<512xf32>
    %reduce_sum3A_52 = vector.multi_reduction <add>, %add3A_47, %reduce_sum3A [1] : vector<512x128xf32> to vector<512xf32>
    %broadcast_in_dim3A_53 = vector.shape_cast %reduce_sum3A_52 : vector<512xf32> to vector<512x1xf32>
    %div3A_54 = arith.constant 1.280000e+02 : f32
    %div3A_55 = vector.broadcast %div3A_54 : f32 to vector<512x1xf32>
    %div3A_56 = arith.divf %broadcast_in_dim3A_53, %div3A_55 : vector<512x1xf32>
    %sub3A_57 = vector.broadcast %div3A_56 : vector<512x1xf32> to vector<512x128xf32>
    %sub3A_58 = arith.subf %add3A_47, %sub3A_57 : vector<512x128xf32>
    %integer_pow3A = arith.mulf %sub3A_58, %sub3A_58 : vector<512x128xf32>
    %reduce_sum3A_59 = arith.constant dense<0.000000e+00> : vector<512xf32>
    %reduce_sum3A_60 = vector.multi_reduction <add>, %integer_pow3A, %reduce_sum3A_59 [1] : vector<512x128xf32> to vector<512xf32>
    %broadcast_in_dim3A_61 = vector.shape_cast %reduce_sum3A_60 : vector<512xf32> to vector<512x1xf32>
    %div3A_62 = arith.constant 1.280000e+02 : f32
    %div3A_63 = vector.broadcast %div3A_62 : f32 to vector<512x1xf32>
    %div3A_64 = arith.divf %broadcast_in_dim3A_61, %div3A_63 : vector<512x1xf32>
    %sub3A_65 = vector.broadcast %div3A_56 : vector<512x1xf32> to vector<512x128xf32>
    %sub3A_66 = arith.subf %add3A_47, %sub3A_65 : vector<512x128xf32>
    %add3A_67 = arith.constant 9.99999974E-6 : f32
    %add3A_68 = vector.broadcast %add3A_67 : f32 to vector<512x1xf32>
    %add3A_69 = arith.addf %div3A_64, %add3A_68 : vector<512x1xf32>
    %sqrt3A = math.sqrt %add3A_69 : vector<512x1xf32>
    %div3A_70 = vector.broadcast %sqrt3A : vector<512x1xf32> to vector<512x128xf32>
    %div3A_71 = arith.divf %sub3A_66, %div3A_70 : vector<512x128xf32>
    %broadcast_in_dim3A_72 = vector.shape_cast %get3A_49 : vector<128xf32> to vector<1x128xf32>
    %mul3A_73 = vector.broadcast %broadcast_in_dim3A_72 : vector<1x128xf32> to vector<512x128xf32>
    %mul3A_74 = arith.mulf %div3A_71, %mul3A_73 : vector<512x128xf32>
    %broadcast_in_dim3A_75 = vector.shape_cast %get3A_51 : vector<128xf32> to vector<1x128xf32>
    %add3A_76 = vector.broadcast %broadcast_in_dim3A_75 : vector<1x128xf32> to vector<512x128xf32>
    %add3A_77 = arith.addf %mul3A_74, %add3A_76 : vector<512x128xf32>
    %get3A_78 = arith.constant 0 : index
    %get3A_79 = arith.constant 0 : index
    %get3A_80 = vector.load %arg9[%get3A_78, %get3A_79] : memref<128x256xf32, #tpu.memory_space<vmem>>, vector<128x256xf32>
    %dot_general3A_81 = arith.constant dense<0.000000e+00> : vector<512x256xf32>
    %dot_general3A_82 = tpu.matmul %add3A_77, %get3A_80, %dot_general3A_81 {dimension_numbers = #tpu.dot_dimension_numbers<[1], [0], [0], [1], [0, 0, 1, 1], [], []>, transpose_lhs_hint = false} : vector<512x128xf32>, vector<128x256xf32>, vector<512x256xf32> -> vector<512x256xf32>
    %get3A_83 = arith.constant 0 : index
    %get3A_84 = vector.load %arg10[%get3A_83] : memref<256xf32, #tpu.memory_space<vmem>>, vector<256xf32>
    %broadcast_in_dim3A_85 = vector.shape_cast %get3A_84 : vector<256xf32> to vector<1x256xf32>
    %add3A_86 = vector.broadcast %broadcast_in_dim3A_85 : vector<1x256xf32> to vector<512x256xf32>
    %add3A_87 = arith.addf %dot_general3A_82, %add3A_86 : vector<512x256xf32>
    %integer_pow3A_88 = arith.mulf %add3A_87, %add3A_87 : vector<512x256xf32>
    %integer_pow3A_89 = arith.mulf %add3A_87, %integer_pow3A_88 : vector<512x256xf32>
    %mul3A_90 = arith.constant 4.471500e-02 : f32
    %mul3A_91 = vector.broadcast %mul3A_90 : f32 to vector<512x256xf32>
    %mul3A_92 = arith.mulf %mul3A_91, %integer_pow3A_89 : vector<512x256xf32>
    %add3A_93 = arith.addf %add3A_87, %mul3A_92 : vector<512x256xf32>
    %mul3A_94 = arith.constant 0.797884583 : f32
    %mul3A_95 = vector.broadcast %mul3A_94 : f32 to vector<512x256xf32>
    %mul3A_96 = arith.mulf %mul3A_95, %add3A_93 : vector<512x256xf32>
    %tanh3A = math.tanh %mul3A_96 : vector<512x256xf32>
    %add3A_97 = arith.constant 1.000000e+00 : f32
    %add3A_98 = vector.broadcast %add3A_97 : f32 to vector<512x256xf32>
    %add3A_99 = arith.addf %add3A_98, %tanh3A : vector<512x256xf32>
    %mul3A_100 = arith.constant 5.000000e-01 : f32
    %mul3A_101 = vector.broadcast %mul3A_100 : f32 to vector<512x256xf32>
    %mul3A_102 = arith.mulf %mul3A_101, %add3A_99 : vector<512x256xf32>
    %mul3A_103 = arith.mulf %add3A_87, %mul3A_102 : vector<512x256xf32>
    %get3A_104 = arith.constant 0 : index
    %get3A_105 = arith.constant 0 : index
    %get3A_106 = vector.load %arg11[%get3A_104, %get3A_105] : memref<256x128xf32, #tpu.memory_space<vmem>>, vector<256x128xf32>
    %dot_general3A_107 = arith.constant dense<0.000000e+00> : vector<512x128xf32>
    %dot_general3A_108 = tpu.matmul %mul3A_103, %get3A_106, %dot_general3A_107 {dimension_numbers = #tpu.dot_dimension_numbers<[1], [0], [0], [1], [0, 0, 1, 1], [], []>, transpose_lhs_hint = false} : vector<512x256xf32>, vector<256x128xf32>, vector<512x128xf32> -> vector<512x128xf32>
    %get3A_109 = arith.constant 0 : index
    %get3A_110 = vector.load %arg12[%get3A_109] : memref<128xf32, #tpu.memory_space<vmem>>, vector<128xf32>
    %broadcast_in_dim3A_111 = vector.shape_cast %get3A_110 : vector<128xf32> to vector<1x128xf32>
    %add3A_112 = vector.broadcast %broadcast_in_dim3A_111 : vector<1x128xf32> to vector<512x128xf32>
    %add3A_113 = arith.addf %dot_general3A_108, %add3A_112 : vector<512x128xf32>
    %add3A_114 = arith.addf %add3A_47, %add3A_113 : vector<512x128xf32>
    %swap3A = arith.constant 0 : index
    %swap3A_115 = arith.constant 0 : index
    %swap3A_116 = vector.load %arg13[%swap3A, %swap3A_115] : memref<512x128xf32, #tpu.memory_space<vmem>>, vector<512x128xf32>
    tpu.vector_store %arg13[%swap3A, %swap3A_115], %add3A_114 {strides = array<i32>} : memref<512x128xf32, #tpu.memory_space<vmem>>, vector<512x128xf32>,
    return
  }
  func.func @transform_0(%arg0: i32) -> (i32, i32, i32) {
    %c0_i32 = arith.constant 0 : i32
    %c0_i32_0 = arith.constant 0 : i32
    %c0_i32_1 = arith.constant 0 : i32
    return %c0_i32, %arg0, %c0_i32_0 : i32, i32, i32
  }
  func.func @transform_1(%arg0: i32) -> (i32, i32, i32) {
    %c0_i32 = arith.constant 0 : i32
    %c0_i32_0 = arith.constant 0 : i32
    %c0_i32_1 = arith.constant 0 : i32
    return %c0_i32, %arg0, %c0_i32_0 : i32, i32, i32
  }
  func.func @transform_2(%arg0: i32) -> (i32, i32) {
    %c0_i32 = arith.constant 0 : i32
    %c0_i32_0 = arith.constant 0 : i32
    return %arg0, %c0_i32 : i32, i32
  }
  func.func @transform_3(%arg0: i32) -> (i32, i32) {
    %c0_i32 = arith.constant 0 : i32
    %c0_i32_0 = arith.constant 0 : i32
    %c0_i32_1 = arith.constant 0 : i32
    return %c0_i32, %c0_i32_0 : i32, i32
  }
  func.func @transform_4(%arg0: i32) -> (i32, i32) {
    %c0_i32 = arith.constant 0 : i32
    %c0_i32_0 = arith.constant 0 : i32
    %c0_i32_1 = arith.constant 0 : i32
    return %c0_i32, %c0_i32_0 : i32, i32
  }
  func.func @transform_5(%arg0: i32) -> i32 {
    %c0_i32 = arith.constant 0 : i32
    %c0_i32_0 = arith.constant 0 : i32
    return %c0_i32 : i32
  }
  func.func @transform_6(%arg0: i32) -> i32 {
    %c0_i32 = arith.constant 0 : i32
    %c0_i32_0 = arith.constant 0 : i32
    return %c0_i32 : i32
  }
  func.func @transform_7(%arg0: i32) -> i32 {
    %c0_i32 = arith.constant 0 : i32
    %c0_i32_0 = arith.constant 0 : i32
    return %c0_i32 : i32
  }
  func.func @transform_8(%arg0: i32) -> (i32, i32) {
    %c0_i32 = arith.constant 0 : i32
    %c0_i32_0 = arith.constant 0 : i32
    %c0_i32_1 = arith.constant 0 : i32
    return %c0_i32, %c0_i32_0 : i32, i32
  }
  func.func @transform_9(%arg0: i32) -> i32 {
    %c0_i32 = arith.constant 0 : i32
    %c0_i32_0 = arith.constant 0 : i32
    return %c0_i32 : i32
  }
  func.func @transform_10(%arg0: i32) -> (i32, i32) {
    %c0_i32 = arith.constant 0 : i32
    %c0_i32_0 = arith.constant 0 : i32
    %c0_i32_1 = arith.constant 0 : i32
    return %c0_i32, %c0_i32_0 : i32, i32
  }
  func.func @transform_11(%arg0: i32) -> i32 {
    %c0_i32 = arith.constant 0 : i32
    %c0_i32_0 = arith.constant 0 : i32
    return %c0_i32 : i32
  }
  func.func @transform_12(%arg0: i32) -> (i32, i32) {
    %c0_i32 = arith.constant 0 : i32
    %c0_i32_0 = arith.constant 0 : i32
    return %arg0, %c0_i32 : i32, i32
  }
}

</mosaic_0001>

<sc_bundles>
// kernel: kernel.12.cloned.1.call-start
scs
__scs_entry_jumppad:
0x0: {  	(pc) =	sbr.rel $0x88, $3  }
0x1: {  	(tag) =	ssettag $0x0;
	lr =	simm.s32 $0x1  }
0x2: {  	[smem:$0x3F84] =	sst lr;
	_ =	strace $0xD0000000  }
0x3: {  	_ = 	snop  }
0x4: {  	_ = 	snop  }
0x5: {  	_ = 	snop  }
0x6: {  	_ = 	snop  }
0x7: {  	_ = 	snop  }
__scs_overlays_trampoline_lowered:
0x8: {  	[smem:$0x3F93] =	sst s0  }
0x9: {  	[smem:$0x3F94] =	sst s1  }
0xa: {  	[smem:$0x3F95] =	sst s2  }
0xb: {  	[smem:$0x3F96] =	sst s3  }
0xc: {  	[smem:$0x3F97] =	sst s4  }
0xd: {  	[smem:$0x3F98] =	sst s5  }
0xe: {  	[smem:$0x3F99] =	sst s6  }
0xf: {  	[smem:$0x3F9A] =	sst s7  }
0x10: {  	[smem:$0x3F9B] =	sst s8  }
0x11: {  	[smem:$0x3F9C] =	sst s9;
	s0 =	simm.s32 @!p0 $0x0  }
0x12: {  	s1 =	sld [smem:$0x3F82];
	s0 =	simm.s32 @p0 $0x1  }
0x13: {  	[smem:$0x3F9D] =	sst s0;
	s0 =	simm.s32 @!p1 $0x0  }
0x14: {  	s2 =	sld [smem:$0x3F81];
	s0 =	simm.s32 @p1 $0x1  }
0x15: {  	[smem:$0x3F9E] =	sst s0;
	s0 =	simm.s32 @!p2 $0x0  }
0x16: {  	s3 =	sld [smem:$0x3FDB];
	s0 =	simm.s32 @p2 $0x1  }
0x17: {  	s4 =	simm.s32 $0x1BF5;
	[smem:$0x3FA0] =	sst s0  }
0x18: {  	s0 =	sld [smem:$0x3F83];
	_ =	swait.ge [sflag:s4], $0x0  }
0x19: {  	s7 =	sld [smem:$0x3F84]  }
0x1a: {  	s8 =	sadd.s32 $0xFFFFE003, lr  }
0x1b: {  	s9 =	sadd.s32 $0xFFFFFEF7, lr;
	s5 =	simm.s32 $0xFFFFFFFF;
	p2 =	slt.u32 s8, $0xFFFFF086  }
0x1c: {  	p1 =	slt.u32 s9, $0xF7A;
	s5 =	simm.s32 @!p2 $0x0  }
0x1d: {  	s5 =	simm.s32 @p1 $0x1;
	p0 =	seq.s32 s7, s2  }
0x1e: {  	s7 =	smul.u32 @!p0 $0xF7A, s2;
	p2 =	seq.s32 @!p0 s5, $0x0  }
0x1f: {  	s9 =	smul.u32 $0xF7A, s1;
	s8 =	simm.s32 @!p0 $0x1BF5;
	p2 =	por !p2, p0  }
0x20: {  	[sflag:s8] =	ssyncset.s32 @!p0 $0xFFFFF086;
	s6 =	sadd.s32 @!p0 s3, s7;
	s7 =	simm.s32 @!p0 $0x108  }
0x21: {  	s3 =	sadd.s32 s3, s9;
	s6 =	sadd.s32 @!p0 $0x88, s6;
	s7 =	simm.s32 @p2 $0x1082  }
0x22: {  	[simem:s7], [sflag:s8] =	dma.local @!p0 [hbm:s6], $0xF7A  }
0x23: {  	s9 =	sor.u32 $0xD0000000, s2;
	s6 =	simm.s32 $0x108;
	_ =	swait.ge @!p0 [sflag:s8], $0x0  }
0x24: {  	s3 =	sadd.s32 $0x88, s3;
	s6 =	simm.s32 @!p1 $0x1082;
	[sflag:s4] =	ssyncset.s32 $0xFFFFF086  }
0x25: {  	[simem:s6], [sflag:s4] =	dma.local [hbm:s3], $0xF7A  }
0x26: {  	[smem:$0x3F84] =	sst s1;
	(tag) =	ssettag s2;
	_ =	strace s9  }
0x27: {  	s1 =	sld [smem:$0x3F94]  }
0x28: {  	s2 =	sld [smem:$0x3F95]  }
0x29: {  	s4 =	sld [smem:$0x3F97]  }
0x2a: {  	p0 =	seq.s32 s5, $0x0;
	s5 =	sld [smem:$0x3F98]  }
0x2b: {  	s6 =	sld [smem:$0x3F99]  }
0x2c: {  	s7 =	sld [smem:$0x3F9A]  }
0x2d: {  	s3 =	simm.s32 $0x108;
	s8 =	sld [smem:$0x3F9B]  }
0x2e: {  	s3 =	simm.s32 @!p0 $0x1082;
	s9 =	sld [smem:$0x3F9C]  }
0x2f: {  	lr =	sadd.s32 s0, s3;
	s0 =	sld [smem:$0x3F93]  }
0x30: {  	s3 =	sld [smem:$0x3F96]  }
0x31: {  	[smem:$0x3F9F] =	sst s10  }
0x32: {  	s10 =	sld [smem:$0x3F9D];
	_ =	sdelay $0x3  }
0x33: {  	p0 =	seq.s32 s10, $0x1;
	s10 =	sld [smem:$0x3F9F];
	_ =	sdelay $0x3  }
0x34: {  	[smem:$0x3F9F] =	sst s10  }
0x35: {  	s10 =	sld [smem:$0x3F9E];
	_ =	sdelay $0x3  }
0x36: {  	p1 =	seq.s32 s10, $0x1;
	s10 =	sld [smem:$0x3F9F];
	_ =	sdelay $0x3  }
0x37: {  	[smem:$0x3F9F] =	sst s10  }
0x38: {  	s10 =	sld [smem:$0x3FA0]  }
0x39: {  	_ = 	snop;
	(pc) =	sbr.ind lr, $3  }
0x3a: {  	_ = 	snop  }
0x3b: {  	_ = 	snop  }
0x3c: {  	p2 =	seq.s32 s10, $0x1;
	s10 =	sld [smem:$0x3F9F]  }
0x3d: {  	_ =	shalt  }
0x3e: {  	_ =	shalt  }
0x3f: {  	_ =	shalt  }
0x40: {  	_ =	shalt  }
0x41: {  	_ =	shalt  }
0x42: {  	_ =	shalt  }
0x43: {  	_ =	shalt  }
0x44: {  	_ =	shalt  }
0x45: {  	_ =	shalt  }
0x46: {  	_ =	shalt  }
0x47: {  	_ =	shalt  }
0x48: {  	_ =	shalt  }
0x49: {  	_ =	shalt  }
0x4a: {  	_ =	shalt  }
0x4b: {  	_ =	shalt  }
0x4c: {  	_ =	shalt  }
0x4d: {  	_ =	shalt  }
0x4e: {  	_ =	shalt  }
0x4f: {  	_ =	shalt  }
0x50: {  	_ =	shalt  }
0x51: {  	_ =	shalt  }
0x52: {  	_ =	shalt  }
0x53: {  	_ =	shalt  }
0x54: {  	_ =	shalt  }
0x55: {  	_ =	shalt  }
0x56: {  	_ =	shalt  }
0x57: {  	_ =	shalt  }
0x58: {  	_ =	shalt  }
0x59: {  	_ =	shalt  }
0x5a: {  	_ =	shalt  }
0x5b: {  	_ =	shalt  }
0x5c: {  	_ =	shalt  }
0x5d: {  	_ =	shalt  }
0x5e: {  	_ =	shalt  }
0x5f: {  	_ =	shalt  }
0x60: {  	_ =	shalt  }
0x61: {  	_ =	shalt  }
0x62: {  	_ =	shalt  }
0x63: {  	_ =	shalt  }
0x64: {  	_ =	shalt  }
0x65: {  	_ =	shalt  }
0x66: {  	_ =	shalt  }
0x67: {  	_ =	shalt  }
0x68: {  	_ =	shalt  }
0x69: {  	_ =	shalt  }
0x6a: {  	_ =	shalt  }
0x6b: {  	_ =	shalt  }
0x6c: {  	_ =	shalt  }
0x6d: {  	_ =	shalt  }
0x6e: {  	_ =	shalt  }
0x6f: {  	_ =	shalt  }
0x70: {  	_ =	shalt  }
0x71: {  	_ =	shalt  }
0x72: {  	_ =	shalt  }
0x73: {  	_ =	shalt  }
0x74: {  	_ =	shalt  }
0x75: {  	_ =	shalt  }
0x76: {  	_ =	shalt  }
0x77: {  	_ =	shalt  }
0x78: {  	_ =	shalt  }
0x79: {  	_ =	shalt  }
0x7a: {  	_ =	shalt  }
0x7b: {  	_ =	shalt  }
0x7c: {  	_ =	shalt  }
0x7d: {  	_ =	shalt  }
0x7e: {  	_ =	shalt  }
0x7f: {  	_ =	shalt  }
0x80: {  	_ =	shalt  }
0x81: {  	_ =	shalt  }
0x82: {  	_ =	shalt  }
0x83: {  	_ =	shalt  }
0x84: {  	_ =	shalt  }
0x85: {  	_ =	shalt  }
0x86: {  	_ =	shalt  }
0x87: {  	_ =	shalt  }
.Lfunc_end0:
.L_simem_size_0:
called_computation.1_lowered:
.L_overlay_start_0:
0x88: {  	s2 =	sld [smem:$0x3FD9]  }
0x89: {  	s3 =	sld [smem:$0x3FFE];
	_ =	sdelay $0x1  }
0x8a: {  	s1 =	srdreg.scid  }
0x8b: {  	s0 =	sand.u32 $0x1, s1  }
0x8c: {  	s16 =	sshll.u32 s0, $0xA;
	s2 =	sadd.s32 s3, s2  }
0x8d: {  	s2 =	sadd.s32 s2, s16  }
0x8e: {  	[smem:$0x3FAB] =	sst s2  }
0x8f: {  	_ = 	snop  }
0x90: {  	(tm) =	ssettm $0x1  }
0x91: {  	s17 =	sld [smem:$0x3FFB];
	_ =	sdelay $0x3  }
0x92: {  	_ =	strace s17  }
0x93: {  	s2 =	sld [smem:$0x3FFC];
	_ =	sdelay $0x3  }
0x94: {  	_ =	strace s2  }
0x95: {  	s2 =	sld [smem:$0x3FFD];
	_ =	sdelay $0x3  }
0x96: {  	_ =	strace s2  }
0x97: {  	_ =	strace $0x8FFFFFFF  }
0x98: {  	s18 =	sld [smem:$0x3FDB];
	_ =	sdelay $0x1  }
0x99: {  	s19 =	simm.s32 $_scs_section_size  }
0x9a: {  	s4 =	simm.s32 $_size__tile_overlayer_lowered;
	s5 =	simm.s32 $_tile_overlayer_lowered  }
0x9b: {  	s22 =	simm.s32 $0x1BFF;
	s21 =	sshll.u32 s5, $0x1;
	s2 =	sadd.s32 s19, s18  }
0x9c: {  	s6 =	simm.s32 $0x0;
	s20 =	sshll.u32 s4, $0x1;
	s4 =	sadd.s32 s21, s2  }
0x9d: {  	[timem:s6], [sflag:s22] =	dma.local [hbm:s4], s20  }
0x9e: {  	_ =	swait.ge [sflag:s22], s20  }
0x9f: {  	s3 =	ssub.s32 $0x0, s20;
	[sflag:s22] =	ssyncset.done $0x0  }
0xa0: {  	[sflag:s22] =	ssyncadd.s32 s3;
	_ =	sdelay $0x1  }
0xa1: {  	s23 =	simm.s32 $0x1B8B  }
0xa2: {  	_ =	swait.ge [sflag:s23], $0x1  }
0xa3: {  	[sflag:s23] =	ssyncset.done $0x0  }
0xa4: {  	s25 =	simm.s32 $0x1B8E;
	s24 =	sld [smem:$0x3FFE];
	[sflag:s23] =	ssyncadd.s32 $0xFFFFFFFF  }
0xa5: {  	s26 =	simm.s32 $execute0_lowered;
	[smem:$0x3FD2] =	sst s25  }
0xa6: {  	s4 =	sshll.u32 s26, $0x1;
	_ =	strace $0x80000046;
	[dreg:$0x1] =	wrdreg $0xFFFFFFFF  }
0xa7: {  	s28 =	simm.s32 $_size_execute0_lowered;
	s2 =	sadd.s32 s2, s4;
	[dreg:$0x0] =	wrdreg $0x0  }
0xa8: {  	s4 =	sshll.u32 s28, $0x1;
	[dreg:$0x2] =	wrdreg s2  }
0xa9: {  	[dreg:$0x3] =	wrdreg s4  }
0xaa: {  	[dreg:$0x4] =	wrdreg $0xC0  }
0xab: {  	_ =	task [dreg:s6], $0x5FFFF  }
0xac: {  	[dreg:$0x1] =	wrdreg $0xFFFFFFFF  }
0xad: {  	[dreg:$0x0] =	wrdreg $0x60  }
0xae: {  	[dreg:$0x2] =	wrdreg s24  }
0xaf: {  	[dreg:$0x3] =	wrdreg $0xA  }
0xb0: {  	_ =	task.clear_ibuf [dreg:s6], $0x4FFFF;
	_ =	strace $0x90000046  }
0xb1: {  	s29 =	simm.s32 $0xA;
	_ =	strace $0x80000048  }
0xb2: {  	_ =	swait.ge [sflag:s29], $0x1  }
0xb3: {  	[sflag:s29] =	ssyncadd.s32 $0xFFFFFFFF  }
0xb4: {  	_ =	strace $0x90000048  }
0xb5: {  	_ =	sfence  }
0xb6: {  	s30 =	sld [smem:$0x0];
	_ =	sdelay $0x2  }
0xb7: {  	s31 =	sshll.u32 s1, $0xD;
	s1 =	sshrl.u32 s1, $0x2  }
0xb8: {  	s3 =	sand.u32 $0x4000, s31;
	s1 =	sadd.s32 s1, s30  }
0xb9: {  	s0 =	sor.u32 s3, s0;
	s1 =	sshll.u32 s1, $0x11  }
0xba: {  	s0 =	sor.u32 s1, s0  }
0xbb: {  	s0 =	sadd.s32 $0x8F2B, s0  }
0xbc: {  	[sflag:s0] =	ssyncadd.remote.s32 $0x1  }
0xbd: {  	_ =	sfence.sel $0xFFFF  }
0xbe: {  	[dreg:$0x0] =	wrdreg $0xFFFFFFFF;
	(pc) =	sbr.abs _section_cstart, $3  }
0xbf: {  	[dreg:$0x1] =	wrdreg $0xFFFFFFFF  }
0xc0: {  	_ =	task.clear_ibuf [dreg:s6], $0x2FFFF;
	_ =	strace $0x9FFFFFFF  }
0xc1: {  	(tm) =	ssettm $0x7FFFFFFF  }
tec
execute0_lowered:
.L_overlay_start_1:
0x0: {  	(tag) =	ssettag $0x1  }
0x1: {  	s4 =	rddreg [dreg:$0x0]  }
0x2: {  	s0 =	rddreg [dreg:$0x1];
	s2 =	simm.s32 $0x0;
	s1 =	stileid.u32  }
0x3: {  	s3 =	srdreg.scid;
	s10 =	simm.s32 $0x0;
	s6 =	smul.u32 $0x4F00, s1  }
0x4: {  	[smem:$0x7FF] =	sst s2;
	s5 =	sand.u32 $0x1, s3;
	s8 =	smul.u32 $0x4F000, s1  }
0x5: {  	s3 =	sadd.s32 $0x36400, s4;
	s7 =	smul.u32 $0x2780, s5;
	s9 =	ssub.s32 $0x2, s5  }
0x6: {  	_ =	strace $0x80000047;
	s5 =	smul.u32 $0x27800, s5;
	s31 =	sshrl.u32 s9, $0x1  }
0x7: {  	s8 =	sadd.s32 s8, s4;
	s6 =	sadd.s32 s7, s6;
	s7 =	ssub.s32 s9, s31  }
0x8: {  	s5 =	sadd.s32 s5, s8;
	s8 =	simm.s32 $0x80;
	s6 =	sshrl.u32 s6, $0x3  }
0x9: {  	s9 =	simm.s32 $0x1;
	s5 =	sadd.s32 $0xAE400, s5;
	s6 =	sadd.s32 s6, s4  }
0xa: {  	s4 =	smax.u32 s7, $0x1;
	s7 =	simm.s32 $0x2;
	s6 =	sadd.s32 $0x2C600, s6  }
.LBB2_1:
0xb: {  	s11 =	sadd.s32 $0x0, s6  }
0xc: {  	[tilespmem:s2], [sflag:$0x2] =	stream.linear.gather [hbm4b:s11+s2], $0x80, $0x38;
	[tilespmem:$0x4080] =	vst v63  }
0xd: {  	_ =	swait.ge [sflag:s7], $0x80  }
0xe: {  	[sflag:s7] =	ssyncset.done $0x0  }
0xf: {  	[sflag:s7] =	ssyncadd.s32 $0xFFFFFF80  }
0x10: {  	[tilespmem:s8], [sflag:$0x1] =	stream.indirect.gather [hbm4b:s3+s8], $0x80, s2, s8, $0xb8;
	[tilespmem:$0x4080] =	vst v63  }
0x11: {  	_ =	swait.ge [sflag:s9], $0x4000  }
0x12: {  	[sflag:s9] =	ssyncset.done $0x0  }
0x13: {  	[sflag:s9] =	ssyncadd.s32 $0xFFFFC000  }
0x14: {  	[hbm4b:s5+s2] =	stream.linear.scatter [tilespmem:s8], [sflag:$0x2], $0x4000, $0x38;
	[tilespmem:$0x4080] =	vst v63  }
0x15: {  	s12 =	simm.s32 $0x10;
	_ =	swait.ge [sflag:s7], $0x4000  }
0x16: {  	s13 =	simm.s32 $0x20;
	s11 =	sadd.s32 $0x800, s5;
	[sflag:s7] =	ssyncset.done $0x0  }
.LBB2_2:
0x17: {  	s14 =	sadd.s32 s12, s6  }
0x18: {  	[sflag:s7] =	ssyncadd.s32 $0xFFFFC000;
	s12 =	smov.u32 s13;
	s15 =	sadd.s32 $0x10, s13  }
0x19: {  	[tilespmem:s2], [sflag:$0x2] =	stream.linear.gather [hbm4b:s14+s2], $0x80, $0x38;
	[tilespmem:$0x4080] =	vst v63  }
0x1a: {  	p0 =	sne.s32 s13, $0x4E0;
	_ =	swait.ge [sflag:s7], $0x80  }
0x1b: {  	[sflag:s7] =	ssyncset.done $0x0  }
0x1c: {  	[sflag:s7] =	ssyncadd.s32 $0xFFFFFF80  }
0x1d: {  	[tilespmem:s8], [sflag:$0x1] =	stream.indirect.gather [hbm4b:s3+s8], $0x80, s2, s8, $0xb8;
	[tilespmem:$0x4080] =	vst v63  }
0x1e: {  	_ =	swait.ge [sflag:s9], $0x4000  }
.Ltmp0:
0x1f: {  	[sflag:s9] =	ssyncset.done $0x0;
	(pc) =	sbr.rel @p0 .LBB2_2-.Ltmp0, $4  }
0x20: {  	[sflag:s9] =	ssyncadd.s32 $0xFFFFC000  }
0x21: {  	[hbm4b:s11+s2] =	stream.linear.scatter [tilespmem:s8], [sflag:$0x2], $0x4000, $0x38;
	[tilespmem:$0x4080] =	vst v63  }
0x22: {  	_ =	swait.ge [sflag:s7], $0x4000  }
0x23: {  	s13 =	smov.u32 s15;
	s11 =	sadd.s32 $0x800, s11;
	[sflag:s7] =	ssyncset.done $0x0  }
0x24: {  	s12 =	sadd.s32 s12, s6;
	[sflag:s7] =	ssyncadd.s32 $0xFFFFC000  }
0x25: {  	[tilespmem:s2], [sflag:$0x2] =	stream.linear.gather [hbm4b:s12+s2], $0x80, $0x38;
	[tilespmem:$0x4080] =	vst v63  }
0x26: {  	_ =	swait.ge [sflag:s7], $0x80  }
0x27: {  	[sflag:s7] =	ssyncset.done $0x0  }
0x28: {  	[sflag:s7] =	ssyncadd.s32 $0xFFFFFF80  }
0x29: {  	[tilespmem:s8], [sflag:$0x1] =	stream.indirect.gather [hbm4b:s3+s8], $0x80, s2, s8, $0xb8;
	[tilespmem:$0x4080] =	vst v63  }
0x2a: {  	s10 =	sadd.s32 $0x1, s10;
	_ =	swait.ge [sflag:s9], $0x4000  }
0x2b: {  	p0 =	sne.s32 s10, s4;
	[sflag:s9] =	ssyncset.done $0x0  }
.Ltmp1:
0x2c: {  	[sflag:s9] =	ssyncadd.s32 $0xFFFFC000;
	(pc) =	sbr.rel @p0 .LBB2_1-.Ltmp1, $4  }
0x2d: {  	[hbm4b:s11+s2] =	stream.linear.scatter [tilespmem:s8], [sflag:$0x2], $0x4000, $0x38;
	[tilespmem:$0x4080] =	vst v63  }
0x2e: {  	_ =	swait.ge [sflag:s7], $0x4000  }
0x2f: {  	[sflag:s7] =	ssyncset.done $0x0  }
0x30: {  	[sflag:s7] =	ssyncadd.s32 $0xFFFFC000  }
0x31: {  	_ =	sfence.sel $0x180000  }
0x32: {  	[bflag:$0x0] =	sbarrier.arrive $0xFFFF  }
0x33: {  	p0 =	sne.s32 s1, $0x0;
	_ =	strace $0x90000047  }
0x34: {  	s0 =	sadd.s32 @!p0 $0x100000, s0;
	[bflag:$0x2] =	sbarrier.arrive $0xFFFF  }
0x35: {  	[sflag:s0] =	ssyncadd.tile.s32 @!p0 $0x1;
	_ =	shalt  }
.Lfunc_end2:
_tile_overlayer_lowered:
.L_overlay_start_2:
0x36: {  	(tag) =	ssettag $0x2  }
0x37: {  	s0 =	rddreg [dreg:$0x0];
	s2 =	stileid.u32  }
0x38: {  	s1 =	rddreg [dreg:$0x1];
	p0 =	sne.s32 s2, $0x0  }
0x39: {  	s3 =	rddreg [dreg:$0x2];
	[bflag:$0x3] =	sbarrier.arrive $0xFFFF;
	s2 =	simm.s32 @!p0 $0x1C02  }
0x3a: {  	[timem:s3], [sflag:s2] =	dma.local @!p0 [hbm:s0], s1  }
0x3b: {  	s0 =	simm.s32 @!p0 $0x2  }
0x3c: {  	_ =	swait.ge @!p0 [sflag:s0], s1  }
0x3d: {  	s1 =	ssub.s32 @!p0 $0x0, s1;
	[sflag:s0] =	ssyncset.done @!p0 $0x0  }
0x3e: {  	[sflag:s0] =	ssyncadd.s32 @!p0 s1  }
0x3f: {  	[bflag:$0x3] =	sbarrier.arrive $0xFFFF  }
0x40: {  	_ =	shalt  }

// kernel: kernel.15.cloned.1.call-start
scs
__scs_entry_jumppad:
0x0: {  	(pc) =	sbr.rel $0x88, $3  }
0x1: {  	(tag) =	ssettag $0x0;
	lr =	simm.s32 $0x1  }
0x2: {  	[smem:$0x3F84] =	sst lr;
	_ =	strace $0xD0000000  }
0x3: {  	_ = 	snop  }
0x4: {  	_ = 	snop  }
0x5: {  	_ = 	snop  }
0x6: {  	_ = 	snop  }
0x7: {  	_ = 	snop  }
__scs_overlays_trampoline_lowered:
0x8: {  	[smem:$0x3F93] =	sst s0  }
0x9: {  	[smem:$0x3F94] =	sst s1  }
0xa: {  	[smem:$0x3F95] =	sst s2  }
0xb: {  	[smem:$0x3F96] =	sst s3  }
0xc: {  	[smem:$0x3F97] =	sst s4  }
0xd: {  	[smem:$0x3F98] =	sst s5  }
0xe: {  	[smem:$0x3F99] =	sst s6  }
0xf: {  	[smem:$0x3F9A] =	sst s7  }
0x10: {  	[smem:$0x3F9B] =	sst s8  }
0x11: {  	[smem:$0x3F9C] =	sst s9;
	s0 =	simm.s32 @!p0 $0x0  }
0x12: {  	s1 =	sld [smem:$0x3F82];
	s0 =	simm.s32 @p0 $0x1  }
0x13: {  	[smem:$0x3F9D] =	sst s0;
	s0 =	simm.s32 @!p1 $0x0  }
0x14: {  	s2 =	sld [smem:$0x3F81];
	s0 =	simm.s32 @p1 $0x1  }
0x15: {  	[smem:$0x3F9E] =	sst s0;
	s0 =	simm.s32 @!p2 $0x0  }
0x16: {  	s3 =	sld [smem:$0x3FDB];
	s0 =	simm.s32 @p2 $0x1  }
0x17: {  	s4 =	simm.s32 $0x1BF5;
	[smem:$0x3FA0] =	sst s0  }
0x18: {  	s0 =	sld [smem:$0x3F83];
	_ =	swait.ge [sflag:s4], $0x0  }
0x19: {  	s7 =	sld [smem:$0x3F84]  }
0x1a: {  	s8 =	sadd.s32 $0xFFFFE003, lr  }
0x1b: {  	s9 =	sadd.s32 $0xFFFFFEF7, lr;
	s5 =	simm.s32 $0xFFFFFFFF;
	p2 =	slt.u32 s8, $0xFFFFF086  }
0x1c: {  	p1 =	slt.u32 s9, $0xF7A;
	s5 =	simm.s32 @!p2 $0x0  }
0x1d: {  	s5 =	simm.s32 @p1 $0x1;
	p0 =	seq.s32 s7, s2  }
0x1e: {  	s7 =	smul.u32 @!p0 $0xF7A, s2;
	p2 =	seq.s32 @!p0 s5, $0x0  }
0x1f: {  	s9 =	smul.u32 $0xF7A, s1;
	s8 =	simm.s32 @!p0 $0x1BF5;
	p2 =	por !p2, p0  }
0x20: {  	[sflag:s8] =	ssyncset.s32 @!p0 $0xFFFFF086;
	s6 =	sadd.s32 @!p0 s3, s7;
	s7 =	simm.s32 @!p0 $0x108  }
0x21: {  	s3 =	sadd.s32 s3, s9;
	s6 =	sadd.s32 @!p0 $0x88, s6;
	s7 =	simm.s32 @p2 $0x1082  }
0x22: {  	[simem:s7], [sflag:s8] =	dma.local @!p0 [hbm:s6], $0xF7A  }
0x23: {  	s9 =	sor.u32 $0xD0000000, s2;
	s6 =	simm.s32 $0x108;
	_ =	swait.ge @!p0 [sflag:s8], $0x0  }
0x24: {  	s3 =	sadd.s32 $0x88, s3;
	s6 =	simm.s32 @!p1 $0x1082;
	[sflag:s4] =	ssyncset.s32 $0xFFFFF086  }
0x25: {  	[simem:s6], [sflag:s4] =	dma.local [hbm:s3], $0xF7A  }
0x26: {  	[smem:$0x3F84] =	sst s1;
	(tag) =	ssettag s2;
	_ =	strace s9  }
0x27: {  	s1 =	sld [smem:$0x3F94]  }
0x28: {  	s2 =	sld [smem:$0x3F95]  }
0x29: {  	s4 =	sld [smem:$0x3F97]  }
0x2a: {  	p0 =	seq.s32 s5, $0x0;
	s5 =	sld [smem:$0x3F98]  }
0x2b: {  	s6 =	sld [smem:$0x3F99]  }
0x2c: {  	s7 =	sld [smem:$0x3F9A]  }
0x2d: {  	s3 =	simm.s32 $0x108;
	s8 =	sld [smem:$0x3F9B]  }
0x2e: {  	s3 =	simm.s32 @!p0 $0x1082;
	s9 =	sld [smem:$0x3F9C]  }
0x2f: {  	lr =	sadd.s32 s0, s3;
	s0 =	sld [smem:$0x3F93]  }
0x30: {  	s3 =	sld [smem:$0x3F96]  }
0x31: {  	[smem:$0x3F9F] =	sst s10  }
0x32: {  	s10 =	sld [smem:$0x3F9D];
	_ =	sdelay $0x3  }
0x33: {  	p0 =	seq.s32 s10, $0x1;
	s10 =	sld [smem:$0x3F9F];
	_ =	sdelay $0x3  }
0x34: {  	[smem:$0x3F9F] =	sst s10  }
0x35: {  	s10 =	sld [smem:$0x3F9E];
	_ =	sdelay $0x3  }
0x36: {  	p1 =	seq.s32 s10, $0x1;
	s10 =	sld [smem:$0x3F9F];
	_ =	sdelay $0x3  }
0x37: {  	[smem:$0x3F9F] =	sst s10  }
0x38: {  	s10 =	sld [smem:$0x3FA0]  }
0x39: {  	_ = 	snop;
	(pc) =	sbr.ind lr, $3  }
0x3a: {  	_ = 	snop  }
0x3b: {  	_ = 	snop  }
0x3c: {  	p2 =	seq.s32 s10, $0x1;
	s10 =	sld [smem:$0x3F9F]  }
0x3d: {  	_ =	shalt  }
0x3e: {  	_ =	shalt  }
0x3f: {  	_ =	shalt  }
0x40: {  	_ =	shalt  }
0x41: {  	_ =	shalt  }
0x42: {  	_ =	shalt  }
0x43: {  	_ =	shalt  }
0x44: {  	_ =	shalt  }
0x45: {  	_ =	shalt  }
0x46: {  	_ =	shalt  }
0x47: {  	_ =	shalt  }
0x48: {  	_ =	shalt  }
0x49: {  	_ =	shalt  }
0x4a: {  	_ =	shalt  }
0x4b: {  	_ =	shalt  }
0x4c: {  	_ =	shalt  }
0x4d: {  	_ =	shalt  }
0x4e: {  	_ =	shalt  }
0x4f: {  	_ =	shalt  }
0x50: {  	_ =	shalt  }
0x51: {  	_ =	shalt  }
0x52: {  	_ =	shalt  }
0x53: {  	_ =	shalt  }
0x54: {  	_ =	shalt  }
0x55: {  	_ =	shalt  }
0x56: {  	_ =	shalt  }
0x57: {  	_ =	shalt  }
0x58: {  	_ =	shalt  }
0x59: {  	_ =	shalt  }
0x5a: {  	_ =	shalt  }
0x5b: {  	_ =	shalt  }
0x5c: {  	_ =	shalt  }
0x5d: {  	_ =	shalt  }
0x5e: {  	_ =	shalt  }
0x5f: {  	_ =	shalt  }
0x60: {  	_ =	shalt  }
0x61: {  	_ =	shalt  }
0x62: {  	_ =	shalt  }
0x63: {  	_ =	shalt  }
0x64: {  	_ =	shalt  }
0x65: {  	_ =	shalt  }
0x66: {  	_ =	shalt  }
0x67: {  	_ =	shalt  }
0x68: {  	_ =	shalt  }
0x69: {  	_ =	shalt  }
0x6a: {  	_ =	shalt  }
0x6b: {  	_ =	shalt  }
0x6c: {  	_ =	shalt  }
0x6d: {  	_ =	shalt  }
0x6e: {  	_ =	shalt  }
0x6f: {  	_ =	shalt  }
0x70: {  	_ =	shalt  }
0x71: {  	_ =	shalt  }
0x72: {  	_ =	shalt  }
0x73: {  	_ =	shalt  }
0x74: {  	_ =	shalt  }
0x75: {  	_ =	shalt  }
0x76: {  	_ =	shalt  }
0x77: {  	_ =	shalt  }
0x78: {  	_ =	shalt  }
0x79: {  	_ =	shalt  }
0x7a: {  	_ =	shalt  }
0x7b: {  	_ =	shalt  }
0x7c: {  	_ =	shalt  }
0x7d: {  	_ =	shalt  }
0x7e: {  	_ =	shalt  }
0x7f: {  	_ =	shalt  }
0x80: {  	_ =	shalt  }
0x81: {  	_ =	shalt  }
0x82: {  	_ =	shalt  }
0x83: {  	_ =	shalt  }
0x84: {  	_ =	shalt  }
0x85: {  	_ =	shalt  }
0x86: {  	_ =	shalt  }
0x87: {  	_ =	shalt  }
.Lfunc_end0:
.L_simem_size_0:
called_computation.2_lowered:
.L_overlay_start_0:
0x88: {  	s2 =	sld [smem:$0x3FD9]  }
0x89: {  	s3 =	sld [smem:$0x3FFE];
	_ =	sdelay $0x1  }
0x8a: {  	s1 =	srdreg.scid  }
0x8b: {  	s0 =	sand.u32 $0x1, s1  }
0x8c: {  	s17 =	sshll.u32 s0, $0xA;
	s2 =	sadd.s32 s3, s2  }
0x8d: {  	s2 =	sadd.s32 s2, s17  }
0x8e: {  	[smem:$0x3FAB] =	sst s2  }
0x8f: {  	_ = 	snop  }
0x90: {  	(tm) =	ssettm $0x1  }
0x91: {  	s18 =	sld [smem:$0x3FFB];
	_ =	sdelay $0x3  }
0x92: {  	_ =	strace s18  }
0x93: {  	s2 =	sld [smem:$0x3FFC];
	_ =	sdelay $0x3  }
0x94: {  	_ =	strace s2  }
0x95: {  	s2 =	sld [smem:$0x3FFD];
	_ =	sdelay $0x3  }
0x96: {  	_ =	strace s2  }
0x97: {  	_ =	strace $0x8FFFFFFF  }
0x98: {  	s19 =	sld [smem:$0x3FDB];
	_ =	sdelay $0x1  }
0x99: {  	s20 =	simm.s32 $_scs_section_size  }
0x9a: {  	s4 =	simm.s32 $_size__tile_overlayer_lowered;
	s5 =	simm.s32 $_tile_overlayer_lowered  }
0x9b: {  	s6 =	simm.s32 $0x1BFF;
	s21 =	sshll.u32 s5, $0x1;
	s3 =	sadd.s32 s20, s19  }
0x9c: {  	s22 =	simm.s32 $0x0;
	s4 =	sshll.u32 s4, $0x1;
	s5 =	sadd.s32 s21, s3  }
0x9d: {  	[timem:s22], [sflag:s6] =	dma.local [hbm:s5], s4  }
0x9e: {  	_ =	swait.ge [sflag:s6], s4  }
0x9f: {  	s4 =	ssub.s32 $0x0, s4;
	[sflag:s6] =	ssyncset.done $0x0  }
0xa0: {  	[sflag:s6] =	ssyncadd.s32 s4;
	_ =	sdelay $0x1  }
0xa1: {  	s23 =	simm.s32 $0x1B8B  }
0xa2: {  	_ =	swait.ge [sflag:s23], $0x1  }
0xa3: {  	[sflag:s23] =	ssyncset.done $0x0  }
0xa4: {  	[sflag:s23] =	ssyncadd.s32 $0xFFFFFFFF  }
0xa5: {  	s4 =	sld [smem:$0x0]  }
0xa6: {  	s5 =	sand.u32 $0xFFFFFFFE, s1  }
0xa7: {  	p0 =	sne.s32 s1, s5  }
0xa8: {  	s5 =	sshll.u32 @p0 s5, $0xE  }
0xa9: {  	s5 =	sadd.s32 @p0 $0x11B8D, s5;
	s6 =	sshll.u32 @p0 s4, $0x11  }
0xaa: {  	s5 =	sor.u32 @p0 s6, s5  }
0xab: {  	[sflag:s5] =	ssyncadd.remote.s32 @p0 $0x1;
	_ =	sdelay $0x1  }
0xac: {  	s5 =	simm.s32 @p0 $0x1B8D  }
0xad: {  	_ =	swait.eq @p0 [sflag:s5], $0x1  }
0xae: {  	[sflag:s5] =	ssyncadd.s32 @p0 $0xFFFFFFFF  }
0xaf: {  	s6 =	sshll.u32 @!p0 s1, $0xE  }
0xb0: {  	s6 =	sor.u32 @!p0 $0x4000, s6;
	s5 =	simm.s32 @!p0 $0x1B8D  }
0xb1: {  	s4 =	sshll.u32 @!p0 s4, $0x11;
	s6 =	sadd.s32 @!p0 $0x11B8D, s6;
	_ =	swait.eq @!p0 [sflag:s5], $0x1  }
0xb2: {  	s4 =	sor.u32 @!p0 s4, s6;
	[sflag:s5] =	ssyncadd.s32 @!p0 $0xFFFFFFFF  }
0xb3: {  	s25 =	simm.s32 $0x1B8E;
	s24 =	sld [smem:$0x3FFE];
	[sflag:s4] =	ssyncadd.remote.s32 @!p0 $0x1  }
0xb4: {  	s26 =	simm.s32 $execute0_lowered;
	[smem:$0x3FD2] =	sst s25  }
0xb5: {  	s5 =	sshll.u32 s26, $0x1;
	_ =	strace $0x8000004F;
	[dreg:$0x1] =	wrdreg $0xFFFFFFFF  }
0xb6: {  	s28 =	simm.s32 $_size_execute0_lowered;
	s3 =	sadd.s32 s3, s5;
	[dreg:$0x0] =	wrdreg $0x0  }
0xb7: {  	s5 =	sshll.u32 s28, $0x1;
	[dreg:$0x2] =	wrdreg s3  }
0xb8: {  	[dreg:$0x3] =	wrdreg s5  }
0xb9: {  	[dreg:$0x4] =	wrdreg $0xC0  }
0xba: {  	_ =	task [dreg:s22], $0x5FFFF  }
0xbb: {  	[dreg:$0x1] =	wrdreg $0xFFFFFFFF  }
0xbc: {  	[dreg:$0x0] =	wrdreg $0x60  }
0xbd: {  	[dreg:$0x2] =	wrdreg s24  }
0xbe: {  	[dreg:$0x3] =	wrdreg $0x40800  }
0xbf: {  	[dreg:$0x4] =	wrdreg $0x9  }
0xc0: {  	_ =	task.clear_ibuf [dreg:s22], $0x5FFFF;
	_ =	strace $0x9000004F  }
0xc1: {  	s29 =	simm.s32 $0x9;
	_ =	strace $0x80000051  }
0xc2: {  	_ =	swait.ge [sflag:s29], $0x1  }
0xc3: {  	[sflag:s29] =	ssyncadd.s32 $0xFFFFFFFF  }
0xc4: {  	_ =	strace $0x90000051  }
0xc5: {  	_ =	sfence  }
0xc6: {  	s30 =	sld [smem:$0x0];
	_ =	sdelay $0x2  }
0xc7: {  	s31 =	sshll.u32 s1, $0xD;
	s1 =	sshrl.u32 s1, $0x2  }
0xc8: {  	s4 =	sand.u32 $0x4000, s31;
	s1 =	sadd.s32 s1, s30  }
0xc9: {  	s0 =	sor.u32 s4, s0;
	s1 =	sshll.u32 s1, $0x11  }
0xca: {  	s0 =	sor.u32 s1, s0  }
0xcb: {  	s0 =	sadd.s32 $0x8F2B, s0  }
0xcc: {  	[sflag:s0] =	ssyncadd.remote.s32 $0x1  }
0xcd: {  	_ =	sfence.sel $0xFFFF  }
0xce: {  	[dreg:$0x0] =	wrdreg $0xFFFFFFFF;
	(pc) =	sbr.abs _section_cstart, $3  }
0xcf: {  	[dreg:$0x1] =	wrdreg $0xFFFFFFFF  }
0xd0: {  	_ =	task.clear_ibuf [dreg:s22], $0x2FFFF;
	_ =	strace $0x9FFFFFFF  }
0xd1: {  	(tm) =	ssettm $0x7FFFFFFF  }
tec
execute0_lowered:
.L_overlay_start_1:
0x0: {  	(tag) =	ssettag $0x1  }
0x1: {  	s0 =	stileid.u32  }
0x2: {  	s6 =	smul.u32 $0x4F00, s0  }
0x3: {  	s1 =	srdreg.scid;
	s8 =	smul.u32 $0x4F000, s0  }
0x4: {  	s4 =	rddreg [dreg:$0x0];
	s25 =	smul.u32 $0x14000, s0  }
0x5: {  	s2 =	rddreg [dreg:$0x1];
	s5 =	sand.u32 $0x1, s1;
	s12 =	smul.u32 $0x50000, s0  }
0x6: {  	s3 =	simm.s32 $0x0;
	s1 =	rddreg [dreg:$0x2];
	s7 =	smul.u32 $0x2780, s5  }
0x7: {  	[smem:$0x7FF] =	sst s3;
	s30 =	sshll.u32 s0, $0x6;
	s9 =	smul.u32 $0x140000, s5  }
0x8: {  	_ =	strace $0x80000050;
	s28 =	ssub.s32 $0x2, s5;
	s31 =	smul.u32 $0x27800, s5  }
0x9: {  	s5 =	sor.u32 $0x1C01, s30;
	s8 =	sadd.s32 s8, s4;
	s26 =	sshrl.u32 s25, $0x3  }
0xa: {  	s11 =	sshrl.u32 s28, $0x1;
	s29 =	sshrl.u32 s12, $0x2;
	s12 =	simm.s32 $0x80  }
0xb: {  	s6 =	sadd.s32 s7, s6;
	s7 =	sadd.s32 s25, s9;
	s9 =	ssub.s32 s28, s11  }
0xc: {  	s13 =	sadd.s32 s29, s2;
	s8 =	sadd.s32 s31, s8;
	s11 =	simm.s32 $0x1  }
0xd: {  	s6 =	sshrl.u32 s6, $0x3;
	s7 =	sshrl.u32 s7, $0x3;
	s8 =	sadd.s32 $0x1E40400, s8  }
0xe: {  	s10 =	sadd.s32 s6, s4;
	s6 =	sadd.s32 s26, s4;
	s7 =	sadd.s32 s7, s4  }
0xf: {  	s4 =	sadd.s32 $0x36400, s6;
	s6 =	sadd.s32 $0xAE400, s7;
	s7 =	smax.u32 s9, $0x1  }
0x10: {  	s9 =	sadd.s32 $0x2C600, s10;
	s10 =	sshrl.u32 s13, $0x3;
	s13 =	simm.s32 $0x0  }
.LBB2_1:
0x11: {  	[spmem:s10], [sflag:s5] =	dma.local [hbm:s4], $0x2800  }
0x12: {  	_ =	swait.ge [sflag:s11], $0x2800  }
0x13: {  	[sflag:s11] =	ssyncset.done $0x0  }
0x14: {  	[sflag:s11] =	ssyncadd.s32 $0xFFFFD800  }
0x15: {  	s14 =	sadd.s32 $0x0, s9;
	[bflag:$0x0] =	sbarrier.arrive $0xFFFF  }
0x16: {  	[tilespmem:s3], [sflag:$0x1] =	stream.linear.gather [hbm4b:s14+s3], $0x80, $0x38;
	[tilespmem:$0x18080] =	vst v63  }
0x17: {  	_ =	swait.ge [sflag:s11], $0x80  }
0x18: {  	[sflag:s11] =	ssyncset.done $0x0  }
0x19: {  	[sflag:s11] =	ssyncadd.s32 $0xFFFFFF80  }
0x1a: {  	[tilespmem:s12], [sflag:$0x1] =	stream.linear.gather [hbm4b:s8+s3], $0x4000, $0x38;
	[tilespmem:$0x18080] =	vst v63  }
0x1b: {  	_ =	swait.ge [sflag:s11], $0x4000  }
0x1c: {  	[sflag:s11] =	ssyncset.done $0x0  }
0x1d: {  	[sflag:s11] =	ssyncadd.s32 $0xFFFFC000  }
0x1e: {  	[spmem:s2] =	stream.indirect.scatter.add.f32 [tilespmem:s12], [sflag:$0x1], $0x80, s3, s12, $0xb8;
	[tilespmem:$0x18080] =	vst v63  }
0x1f: {  	s15 =	simm.s32 $0x10;
	_ =	swait.ge [sflag:s11], $0x4000  }
0x20: {  	s16 =	simm.s32 $0x20;
	s14 =	sadd.s32 $0x800, s8;
	[sflag:s11] =	ssyncset.done $0x0  }
.LBB2_2:
0x21: {  	s17 =	sadd.s32 s15, s9  }
0x22: {  	[sflag:s11] =	ssyncadd.s32 $0xFFFFC000;
	s15 =	smov.u32 s16;
	s18 =	sadd.s32 $0x10, s16  }
0x23: {  	[tilespmem:s3], [sflag:$0x1] =	stream.linear.gather [hbm4b:s17+s3], $0x80, $0x38;
	[tilespmem:$0x18080] =	vst v63  }
0x24: {  	p0 =	sne.s32 s16, $0x4E0;
	_ =	swait.ge [sflag:s11], $0x80  }
0x25: {  	[sflag:s11] =	ssyncset.done $0x0  }
0x26: {  	[sflag:s11] =	ssyncadd.s32 $0xFFFFFF80  }
0x27: {  	[tilespmem:s12], [sflag:$0x1] =	stream.linear.gather [hbm4b:s14+s3], $0x4000, $0x38;
	[tilespmem:$0x18080] =	vst v63  }
0x28: {  	_ =	swait.ge [sflag:s11], $0x4000  }
.Ltmp0:
0x29: {  	[sflag:s11] =	ssyncset.done $0x0;
	(pc) =	sbr.rel @p0 .LBB2_2-.Ltmp0, $4  }
0x2a: {  	[sflag:s11] =	ssyncadd.s32 $0xFFFFC000  }
0x2b: {  	[spmem:s2] =	stream.indirect.scatter.add.f32 [tilespmem:s12], [sflag:$0x1], $0x80, s3, s12, $0xb8;
	[tilespmem:$0x18080] =	vst v63  }
0x2c: {  	_ =	swait.ge [sflag:s11], $0x4000  }
0x2d: {  	s16 =	smov.u32 s18;
	s14 =	sadd.s32 $0x800, s14;
	[sflag:s11] =	ssyncset.done $0x0  }
0x2e: {  	s15 =	sadd.s32 s15, s9;
	[sflag:s11] =	ssyncadd.s32 $0xFFFFC000  }
0x2f: {  	[tilespmem:s3], [sflag:$0x1] =	stream.linear.gather [hbm4b:s15+s3], $0x80, $0x38;
	[tilespmem:$0x18080] =	vst v63  }
0x30: {  	_ =	swait.ge [sflag:s11], $0x80  }
0x31: {  	[sflag:s11] =	ssyncset.done $0x0  }
0x32: {  	[sflag:s11] =	ssyncadd.s32 $0xFFFFFF80  }
0x33: {  	[tilespmem:s12], [sflag:$0x1] =	stream.linear.gather [hbm4b:s14+s3], $0x4000, $0x38;
	[tilespmem:$0x18080] =	vst v63  }
0x34: {  	_ =	swait.ge [sflag:s11], $0x4000  }
0x35: {  	[sflag:s11] =	ssyncset.done $0x0  }
0x36: {  	[sflag:s11] =	ssyncadd.s32 $0xFFFFC000  }
0x37: {  	[spmem:s2] =	stream.indirect.scatter.add.f32 [tilespmem:s12], [sflag:$0x1], $0x80, s3, s12, $0xb8;
	[tilespmem:$0x18080] =	vst v63  }
0x38: {  	_ =	swait.ge [sflag:s11], $0x4000  }
0x39: {  	s13 =	sadd.s32 $0x1, s13;
	[sflag:s11] =	ssyncset.done $0x0  }
0x3a: {  	p0 =	sne.s32 s13, s7;
	[sflag:s11] =	ssyncadd.s32 $0xFFFFC000  }
.Ltmp1:
0x3b: {  	[bflag:$0x0] =	sbarrier.arrive $0xFFFF;
	(pc) =	sbr.rel @p0 .LBB2_1-.Ltmp1, $4  }
0x3c: {  	[hbm:s6], [sflag:s5] =	dma.local [spmem:s10], $0x2800  }
0x3d: {  	_ =	swait.ge [sflag:s11], $0x2800  }
0x3e: {  	[sflag:s11] =	ssyncset.done $0x0  }
0x3f: {  	[sflag:s11] =	ssyncadd.s32 $0xFFFFD800  }
0x40: {  	_ =	sfence.sel $0x180000  }
0x41: {  	[bflag:$0x0] =	sbarrier.arrive $0xFFFF  }
0x42: {  	p0 =	sne.s32 s0, $0x0;
	_ =	strace $0x90000050  }
0x43: {  	s0 =	sadd.s32 @!p0 $0x100000, s1;
	[bflag:$0x2] =	sbarrier.arrive $0xFFFF  }
0x44: {  	[sflag:s0] =	ssyncadd.tile.s32 @!p0 $0x1;
	_ =	shalt  }
.Lfunc_end2:
_tile_overlayer_lowered:
.L_overlay_start_2:
0x45: {  	(tag) =	ssettag $0x2  }
0x46: {  	s0 =	rddreg [dreg:$0x0];
	s2 =	stileid.u32  }
0x47: {  	s1 =	rddreg [dreg:$0x1];
	p0 =	sne.s32 s2, $0x0  }
0x48: {  	s3 =	rddreg [dreg:$0x2];
	[bflag:$0x3] =	sbarrier.arrive $0xFFFF;
	s2 =	simm.s32 @!p0 $0x1C01  }
0x49: {  	[timem:s3], [sflag:s2] =	dma.local @!p0 [hbm:s0], s1  }
0x4a: {  	s0 =	simm.s32 @!p0 $0x1  }
0x4b: {  	_ =	swait.ge @!p0 [sflag:s0], s1  }
0x4c: {  	s1 =	ssub.s32 @!p0 $0x0, s1;
	[sflag:s0] =	ssyncset.done @!p0 $0x0  }
0x4d: {  	[sflag:s0] =	ssyncadd.s32 @!p0 s1  }
0x4e: {  	[bflag:$0x3] =	sbarrier.arrive $0xFFFF  }
0x4f: {  	_ =	shalt  }

// kernel: kernel.18.cloned.1.call-start
scs
__scs_entry_jumppad:
0x0: {  	(pc) =	sbr.rel $0x88, $3  }
0x1: {  	(tag) =	ssettag $0x0;
	lr =	simm.s32 $0x1  }
0x2: {  	[smem:$0x3F84] =	sst lr;
	_ =	strace $0xD0000000  }
0x3: {  	_ = 	snop  }
0x4: {  	_ = 	snop  }
0x5: {  	_ = 	snop  }
0x6: {  	_ = 	snop  }
0x7: {  	_ = 	snop  }
__scs_overlays_trampoline_lowered:
0x8: {  	[smem:$0x3F93] =	sst s0  }
0x9: {  	[smem:$0x3F94] =	sst s1  }
0xa: {  	[smem:$0x3F95] =	sst s2  }
0xb: {  	[smem:$0x3F96] =	sst s3  }
0xc: {  	[smem:$0x3F97] =	sst s4  }
0xd: {  	[smem:$0x3F98] =	sst s5  }
0xe: {  	[smem:$0x3F99] =	sst s6  }
0xf: {  	[smem:$0x3F9A] =	sst s7  }
0x10: {  	[smem:$0x3F9B] =	sst s8  }
0x11: {  	[smem:$0x3F9C] =	sst s9;
	s0 =	simm.s32 @!p0 $0x0  }
0x12: {  	s1 =	sld [smem:$0x3F82];
	s0 =	simm.s32 @p0 $0x1  }
0x13: {  	[smem:$0x3F9D] =	sst s0;
	s0 =	simm.s32 @!p1 $0x0  }
0x14: {  	s2 =	sld [smem:$0x3F81];
	s0 =	simm.s32 @p1 $0x1  }
0x15: {  	[smem:$0x3F9E] =	sst s0;
	s0 =	simm.s32 @!p2 $0x0  }
0x16: {  	s3 =	sld [smem:$0x3FDB];
	s0 =	simm.s32 @p2 $0x1  }
0x17: {  	s4 =	simm.s32 $0x1BF5;
	[smem:$0x3FA0] =	sst s0  }
0x18: {  	s0 =	sld [smem:$0x3F83];
	_ =	swait.ge [sflag:s4], $0x0  }
0x19: {  	s7 =	sld [smem:$0x3F84]  }
0x1a: {  	s8 =	sadd.s32 $0xFFFFE003, lr  }
0x1b: {  	s9 =	sadd.s32 $0xFFFFFEF7, lr;
	s5 =	simm.s32 $0xFFFFFFFF;
	p2 =	slt.u32 s8, $0xFFFFF086  }
0x1c: {  	p1 =	slt.u32 s9, $0xF7A;
	s5 =	simm.s32 @!p2 $0x0  }
0x1d: {  	s5 =	simm.s32 @p1 $0x1;
	p0 =	seq.s32 s7, s2  }
0x1e: {  	s7 =	smul.u32 @!p0 $0xF7A, s2;
	p2 =	seq.s32 @!p0 s5, $0x0  }
0x1f: {  	s9 =	smul.u32 $0xF7A, s1;
	s8 =	simm.s32 @!p0 $0x1BF5;
	p2 =	por !p2, p0  }
0x20: {  	[sflag:s8] =	ssyncset.s32 @!p0 $0xFFFFF086;
	s6 =	sadd.s32 @!p0 s3, s7;
	s7 =	simm.s32 @!p0 $0x108  }
0x21: {  	s3 =	sadd.s32 s3, s9;
	s6 =	sadd.s32 @!p0 $0x88, s6;
	s7 =	simm.s32 @p2 $0x1082  }
0x22: {  	[simem:s7], [sflag:s8] =	dma.local @!p0 [hbm:s6], $0xF7A  }
0x23: {  	s9 =	sor.u32 $0xD0000000, s2;
	s6 =	simm.s32 $0x108;
	_ =	swait.ge @!p0 [sflag:s8], $0x0  }
0x24: {  	s3 =	sadd.s32 $0x88, s3;
	s6 =	simm.s32 @!p1 $0x1082;
	[sflag:s4] =	ssyncset.s32 $0xFFFFF086  }
0x25: {  	[simem:s6], [sflag:s4] =	dma.local [hbm:s3], $0xF7A  }
0x26: {  	[smem:$0x3F84] =	sst s1;
	(tag) =	ssettag s2;
	_ =	strace s9  }
0x27: {  	s1 =	sld [smem:$0x3F94]  }
0x28: {  	s2 =	sld [smem:$0x3F95]  }
0x29: {  	s4 =	sld [smem:$0x3F97]  }
0x2a: {  	p0 =	seq.s32 s5, $0x0;
	s5 =	sld [smem:$0x3F98]  }
0x2b: {  	s6 =	sld [smem:$0x3F99]  }
0x2c: {  	s7 =	sld [smem:$0x3F9A]  }
0x2d: {  	s3 =	simm.s32 $0x108;
	s8 =	sld [smem:$0x3F9B]  }
0x2e: {  	s3 =	simm.s32 @!p0 $0x1082;
	s9 =	sld [smem:$0x3F9C]  }
0x2f: {  	lr =	sadd.s32 s0, s3;
	s0 =	sld [smem:$0x3F93]  }
0x30: {  	s3 =	sld [smem:$0x3F96]  }
0x31: {  	[smem:$0x3F9F] =	sst s10  }
0x32: {  	s10 =	sld [smem:$0x3F9D];
	_ =	sdelay $0x3  }
0x33: {  	p0 =	seq.s32 s10, $0x1;
	s10 =	sld [smem:$0x3F9F];
	_ =	sdelay $0x3  }
0x34: {  	[smem:$0x3F9F] =	sst s10  }
0x35: {  	s10 =	sld [smem:$0x3F9E];
	_ =	sdelay $0x3  }
0x36: {  	p1 =	seq.s32 s10, $0x1;
	s10 =	sld [smem:$0x3F9F];
	_ =	sdelay $0x3  }
0x37: {  	[smem:$0x3F9F] =	sst s10  }
0x38: {  	s10 =	sld [smem:$0x3FA0]  }
0x39: {  	_ = 	snop;
	(pc) =	sbr.ind lr, $3  }
0x3a: {  	_ = 	snop  }
0x3b: {  	_ = 	snop  }
0x3c: {  	p2 =	seq.s32 s10, $0x1;
	s10 =	sld [smem:$0x3F9F]  }
0x3d: {  	_ =	shalt  }
0x3e: {  	_ =	shalt  }
0x3f: {  	_ =	shalt  }
0x40: {  	_ =	shalt  }
0x41: {  	_ =	shalt  }
0x42: {  	_ =	shalt  }
0x43: {  	_ =	shalt  }
0x44: {  	_ =	shalt  }
0x45: {  	_ =	shalt  }
0x46: {  	_ =	shalt  }
0x47: {  	_ =	shalt  }
0x48: {  	_ =	shalt  }
0x49: {  	_ =	shalt  }
0x4a: {  	_ =	shalt  }
0x4b: {  	_ =	shalt  }
0x4c: {  	_ =	shalt  }
0x4d: {  	_ =	shalt  }
0x4e: {  	_ =	shalt  }
0x4f: {  	_ =	shalt  }
0x50: {  	_ =	shalt  }
0x51: {  	_ =	shalt  }
0x52: {  	_ =	shalt  }
0x53: {  	_ =	shalt  }
0x54: {  	_ =	shalt  }
0x55: {  	_ =	shalt  }
0x56: {  	_ =	shalt  }
0x57: {  	_ =	shalt  }
0x58: {  	_ =	shalt  }
0x59: {  	_ =	shalt  }
0x5a: {  	_ =	shalt  }
0x5b: {  	_ =	shalt  }
0x5c: {  	_ =	shalt  }
0x5d: {  	_ =	shalt  }
0x5e: {  	_ =	shalt  }
0x5f: {  	_ =	shalt  }
0x60: {  	_ =	shalt  }
0x61: {  	_ =	shalt  }
0x62: {  	_ =	shalt  }
0x63: {  	_ =	shalt  }
0x64: {  	_ =	shalt  }
0x65: {  	_ =	shalt  }
0x66: {  	_ =	shalt  }
0x67: {  	_ =	shalt  }
0x68: {  	_ =	shalt  }
0x69: {  	_ =	shalt  }
0x6a: {  	_ =	shalt  }
0x6b: {  	_ =	shalt  }
0x6c: {  	_ =	shalt  }
0x6d: {  	_ =	shalt  }
0x6e: {  	_ =	shalt  }
0x6f: {  	_ =	shalt  }
0x70: {  	_ =	shalt  }
0x71: {  	_ =	shalt  }
0x72: {  	_ =	shalt  }
0x73: {  	_ =	shalt  }
0x74: {  	_ =	shalt  }
0x75: {  	_ =	shalt  }
0x76: {  	_ =	shalt  }
0x77: {  	_ =	shalt  }
0x78: {  	_ =	shalt  }
0x79: {  	_ =	shalt  }
0x7a: {  	_ =	shalt  }
0x7b: {  	_ =	shalt  }
0x7c: {  	_ =	shalt  }
0x7d: {  	_ =	shalt  }
0x7e: {  	_ =	shalt  }
0x7f: {  	_ =	shalt  }
0x80: {  	_ =	shalt  }
0x81: {  	_ =	shalt  }
0x82: {  	_ =	shalt  }
0x83: {  	_ =	shalt  }
0x84: {  	_ =	shalt  }
0x85: {  	_ =	shalt  }
0x86: {  	_ =	shalt  }
0x87: {  	_ =	shalt  }
.Lfunc_end0:
.L_simem_size_0:
called_computation.3_lowered:
.L_overlay_start_0:
0x88: {  	s2 =	sld [smem:$0x3FD9]  }
0x89: {  	s3 =	sld [smem:$0x3FFE];
	_ =	sdelay $0x1  }
0x8a: {  	s1 =	srdreg.scid  }
0x8b: {  	s0 =	sand.u32 $0x1, s1  }
0x8c: {  	s16 =	sshll.u32 s0, $0xA;
	s2 =	sadd.s32 s3, s2  }
0x8d: {  	s2 =	sadd.s32 s2, s16  }
0x8e: {  	[smem:$0x3FAB] =	sst s2  }
0x8f: {  	_ = 	snop  }
0x90: {  	(tm) =	ssettm $0x1  }
0x91: {  	s17 =	sld [smem:$0x3FFB];
	_ =	sdelay $0x3  }
0x92: {  	_ =	strace s17  }
0x93: {  	s2 =	sld [smem:$0x3FFC];
	_ =	sdelay $0x3  }
0x94: {  	_ =	strace s2  }
0x95: {  	s2 =	sld [smem:$0x3FFD];
	_ =	sdelay $0x3  }
0x96: {  	_ =	strace s2  }
0x97: {  	_ =	strace $0x8FFFFFFF  }
0x98: {  	s18 =	sld [smem:$0x3FDB];
	_ =	sdelay $0x1  }
0x99: {  	s19 =	simm.s32 $_scs_section_size  }
0x9a: {  	s4 =	simm.s32 $_size__tile_overlayer_lowered;
	s5 =	simm.s32 $_tile_overlayer_lowered  }
0x9b: {  	s22 =	simm.s32 $0x1BFF;
	s21 =	sshll.u32 s5, $0x1;
	s2 =	sadd.s32 s19, s18  }
0x9c: {  	s6 =	simm.s32 $0x0;
	s20 =	sshll.u32 s4, $0x1;
	s4 =	sadd.s32 s21, s2  }
0x9d: {  	[timem:s6], [sflag:s22] =	dma.local [hbm:s4], s20  }
0x9e: {  	_ =	swait.ge [sflag:s22], s20  }
0x9f: {  	s3 =	ssub.s32 $0x0, s20;
	[sflag:s22] =	ssyncset.done $0x0  }
0xa0: {  	[sflag:s22] =	ssyncadd.s32 s3;
	_ =	sdelay $0x1  }
0xa1: {  	s23 =	simm.s32 $0x1B8B  }
0xa2: {  	_ =	swait.ge [sflag:s23], $0x1  }
0xa3: {  	[sflag:s23] =	ssyncset.done $0x0  }
0xa4: {  	s25 =	simm.s32 $0x1B8E;
	s24 =	sld [smem:$0x3FFE];
	[sflag:s23] =	ssyncadd.s32 $0xFFFFFFFF  }
0xa5: {  	s26 =	simm.s32 $execute0_lowered;
	[smem:$0x3FD2] =	sst s25  }
0xa6: {  	s4 =	sshll.u32 s26, $0x1;
	_ =	strace $0x8000004C;
	[dreg:$0x1] =	wrdreg $0xFFFFFFFF  }
0xa7: {  	s28 =	simm.s32 $_size_execute0_lowered;
	s2 =	sadd.s32 s2, s4;
	[dreg:$0x0] =	wrdreg $0x0  }
0xa8: {  	s4 =	sshll.u32 s28, $0x1;
	[dreg:$0x2] =	wrdreg s2  }
0xa9: {  	[dreg:$0x3] =	wrdreg s4  }
0xaa: {  	[dreg:$0x4] =	wrdreg $0xC0  }
0xab: {  	_ =	task [dreg:s6], $0x5FFFF  }
0xac: {  	[dreg:$0x1] =	wrdreg $0xFFFFFFFF  }
0xad: {  	[dreg:$0x0] =	wrdreg $0x60  }
0xae: {  	[dreg:$0x2] =	wrdreg s24  }
0xaf: {  	[dreg:$0x3] =	wrdreg $0x40800  }
0xb0: {  	[dreg:$0x4] =	wrdreg $0xA  }
0xb1: {  	_ =	task.clear_ibuf [dreg:s6], $0x5FFFF;
	_ =	strace $0x9000004C  }
0xb2: {  	s29 =	simm.s32 $0xA;
	_ =	strace $0x8000004E  }
0xb3: {  	_ =	swait.ge [sflag:s29], $0x1  }
0xb4: {  	[sflag:s29] =	ssyncadd.s32 $0xFFFFFFFF  }
0xb5: {  	_ =	strace $0x9000004E  }
0xb6: {  	_ =	sfence  }
0xb7: {  	s30 =	sld [smem:$0x0];
	_ =	sdelay $0x2  }
0xb8: {  	s31 =	sshll.u32 s1, $0xD;
	s1 =	sshrl.u32 s1, $0x2  }
0xb9: {  	s3 =	sand.u32 $0x4000, s31;
	s1 =	sadd.s32 s1, s30  }
0xba: {  	s0 =	sor.u32 s3, s0;
	s1 =	sshll.u32 s1, $0x11  }
0xbb: {  	s0 =	sor.u32 s1, s0  }
0xbc: {  	s0 =	sadd.s32 $0x8F2B, s0  }
0xbd: {  	[sflag:s0] =	ssyncadd.remote.s32 $0x1  }
0xbe: {  	_ =	sfence.sel $0xFFFF  }
0xbf: {  	[dreg:$0x0] =	wrdreg $0xFFFFFFFF;
	(pc) =	sbr.abs _section_cstart, $3  }
0xc0: {  	[dreg:$0x1] =	wrdreg $0xFFFFFFFF  }
0xc1: {  	_ =	task.clear_ibuf [dreg:s6], $0x2FFFF;
	_ =	strace $0x9FFFFFFF  }
0xc2: {  	(tm) =	ssettm $0x7FFFFFFF  }
0xc3: {  	_ =	shalt  }
tec
execute0_lowered:
.L_overlay_start_1:
0x0: {  	(tag) =	ssettag $0x1  }
0x1: {  	s0 =	stileid.u32  }
0x2: {  	s6 =	smul.u32 $0x4F00, s0  }
0x3: {  	s1 =	srdreg.scid;
	s8 =	smul.u32 $0x4F000, s0  }
0x4: {  	s4 =	rddreg [dreg:$0x0];
	s25 =	smul.u32 $0x14000, s0  }
0x5: {  	s2 =	rddreg [dreg:$0x1];
	s5 =	sand.u32 $0x1, s1;
	s12 =	smul.u32 $0x50000, s0  }
0x6: {  	s3 =	simm.s32 $0x0;
	s1 =	rddreg [dreg:$0x2];
	s7 =	smul.u32 $0x2780, s5  }
0x7: {  	[smem:$0x7FF] =	sst s3;
	s30 =	sshll.u32 s0, $0x6;
	s9 =	smul.u32 $0x140000, s5  }
0x8: {  	_ =	strace $0x8000004D;
	s28 =	ssub.s32 $0x2, s5;
	s31 =	smul.u32 $0x27800, s5  }
0x9: {  	s5 =	sor.u32 $0x1C01, s30;
	s8 =	sadd.s32 s8, s4;
	s26 =	sshrl.u32 s25, $0x3  }
0xa: {  	s11 =	sshrl.u32 s28, $0x1;
	s29 =	sshrl.u32 s12, $0x2;
	s12 =	simm.s32 $0x80  }
0xb: {  	s6 =	sadd.s32 s7, s6;
	s7 =	sadd.s32 s25, s9;
	s9 =	ssub.s32 s28, s11  }
0xc: {  	s13 =	sadd.s32 s29, s2;
	s8 =	sadd.s32 s31, s8;
	s11 =	simm.s32 $0x1  }
0xd: {  	s6 =	sshrl.u32 s6, $0x3;
	s7 =	sshrl.u32 s7, $0x3;
	s8 =	sadd.s32 $0x1950400, s8  }
0xe: {  	s10 =	sadd.s32 s6, s4;
	s6 =	sadd.s32 s26, s4;
	s7 =	sadd.s32 s7, s4  }
0xf: {  	s4 =	sadd.s32 $0x36400, s6;
	s6 =	sadd.s32 $0x5E400, s7;
	s7 =	smax.u32 s9, $0x1  }
0x10: {  	s9 =	sadd.s32 $0x2C600, s10;
	s10 =	sshrl.u32 s13, $0x3;
	s13 =	simm.s32 $0x0  }
.LBB2_1:
0x11: {  	[spmem:s10], [sflag:s5] =	dma.local [hbm:s4], $0x2800  }
0x12: {  	_ =	swait.ge [sflag:s11], $0x2800  }
0x13: {  	[sflag:s11] =	ssyncset.done $0x0  }
0x14: {  	[sflag:s11] =	ssyncadd.s32 $0xFFFFD800  }
0x15: {  	s14 =	sadd.s32 $0x0, s9;
	[bflag:$0x0] =	sbarrier.arrive $0xFFFF  }
0x16: {  	[tilespmem:s3], [sflag:$0x1] =	stream.linear.gather [hbm4b:s14+s3], $0x80, $0x38;
	[tilespmem:$0x18080] =	vst v63  }
0x17: {  	_ =	swait.ge [sflag:s11], $0x80  }
0x18: {  	[sflag:s11] =	ssyncset.done $0x0  }
0x19: {  	[sflag:s11] =	ssyncadd.s32 $0xFFFFFF80  }
0x1a: {  	[tilespmem:s12], [sflag:$0x1] =	stream.linear.gather [hbm4b:s8+s3], $0x4000, $0x38;
	[tilespmem:$0x18080] =	vst v63  }
0x1b: {  	_ =	swait.ge [sflag:s11], $0x4000  }
0x1c: {  	[sflag:s11] =	ssyncset.done $0x0  }
0x1d: {  	[sflag:s11] =	ssyncadd.s32 $0xFFFFC000  }
0x1e: {  	[spmem:s2] =	stream.indirect.scatter.add.f32 [tilespmem:s12], [sflag:$0x1], $0x80, s3, s12, $0xb8;
	[tilespmem:$0x18080] =	vst v63  }
0x1f: {  	s15 =	simm.s32 $0x10;
	_ =	swait.ge [sflag:s11], $0x4000  }
0x20: {  	s16 =	simm.s32 $0x20;
	s14 =	sadd.s32 $0x800, s8;
	[sflag:s11] =	ssyncset.done $0x0  }
.LBB2_2:
0x21: {  	s17 =	sadd.s32 s15, s9  }
0x22: {  	[sflag:s11] =	ssyncadd.s32 $0xFFFFC000;
	s15 =	smov.u32 s16;
	s18 =	sadd.s32 $0x10, s16  }
0x23: {  	[tilespmem:s3], [sflag:$0x1] =	stream.linear.gather [hbm4b:s17+s3], $0x80, $0x38;
	[tilespmem:$0x18080] =	vst v63  }
0x24: {  	p0 =	sne.s32 s16, $0x4E0;
	_ =	swait.ge [sflag:s11], $0x80  }
0x25: {  	[sflag:s11] =	ssyncset.done $0x0  }
0x26: {  	[sflag:s11] =	ssyncadd.s32 $0xFFFFFF80  }
0x27: {  	[tilespmem:s12], [sflag:$0x1] =	stream.linear.gather [hbm4b:s14+s3], $0x4000, $0x38;
	[tilespmem:$0x18080] =	vst v63  }
0x28: {  	_ =	swait.ge [sflag:s11], $0x4000  }
.Ltmp0:
0x29: {  	[sflag:s11] =	ssyncset.done $0x0;
	(pc) =	sbr.rel @p0 .LBB2_2-.Ltmp0, $4  }
0x2a: {  	[sflag:s11] =	ssyncadd.s32 $0xFFFFC000  }
0x2b: {  	[spmem:s2] =	stream.indirect.scatter.add.f32 [tilespmem:s12], [sflag:$0x1], $0x80, s3, s12, $0xb8;
	[tilespmem:$0x18080] =	vst v63  }
0x2c: {  	_ =	swait.ge [sflag:s11], $0x4000  }
0x2d: {  	s16 =	smov.u32 s18;
	s14 =	sadd.s32 $0x800, s14;
	[sflag:s11] =	ssyncset.done $0x0  }
0x2e: {  	s15 =	sadd.s32 s15, s9;
	[sflag:s11] =	ssyncadd.s32 $0xFFFFC000  }
0x2f: {  	[tilespmem:s3], [sflag:$0x1] =	stream.linear.gather [hbm4b:s15+s3], $0x80, $0x38;
	[tilespmem:$0x18080] =	vst v63  }
0x30: {  	_ =	swait.ge [sflag:s11], $0x80  }
0x31: {  	[sflag:s11] =	ssyncset.done $0x0  }
0x32: {  	[sflag:s11] =	ssyncadd.s32 $0xFFFFFF80  }
0x33: {  	[tilespmem:s12], [sflag:$0x1] =	stream.linear.gather [hbm4b:s14+s3], $0x4000, $0x38;
	[tilespmem:$0x18080] =	vst v63  }
0x34: {  	_ =	swait.ge [sflag:s11], $0x4000  }
0x35: {  	[sflag:s11] =	ssyncset.done $0x0  }
0x36: {  	[sflag:s11] =	ssyncadd.s32 $0xFFFFC000  }
0x37: {  	[spmem:s2] =	stream.indirect.scatter.add.f32 [tilespmem:s12], [sflag:$0x1], $0x80, s3, s12, $0xb8;
	[tilespmem:$0x18080] =	vst v63  }
0x38: {  	_ =	swait.ge [sflag:s11], $0x4000  }
0x39: {  	s13 =	sadd.s32 $0x1, s13;
	[sflag:s11] =	ssyncset.done $0x0  }
0x3a: {  	p0 =	sne.s32 s13, s7;
	[sflag:s11] =	ssyncadd.s32 $0xFFFFC000  }
.Ltmp1:
0x3b: {  	[bflag:$0x0] =	sbarrier.arrive $0xFFFF;
	(pc) =	sbr.rel @p0 .LBB2_1-.Ltmp1, $4  }
0x3c: {  	[hbm:s6], [sflag:s5] =	dma.local [spmem:s10], $0x2800  }
0x3d: {  	_ =	swait.ge [sflag:s11], $0x2800  }
0x3e: {  	[sflag:s11] =	ssyncset.done $0x0  }
0x3f: {  	[sflag:s11] =	ssyncadd.s32 $0xFFFFD800  }
0x40: {  	_ =	sfence.sel $0x180000  }
0x41: {  	[bflag:$0x0] =	sbarrier.arrive $0xFFFF  }
0x42: {  	p0 =	sne.s32 s0, $0x0;
	_ =	strace $0x9000004D  }
0x43: {  	s0 =	sadd.s32 @!p0 $0x100000, s1;
	[bflag:$0x2] =	sbarrier.arrive $0xFFFF  }
0x44: {  	[sflag:s0] =	ssyncadd.tile.s32 @!p0 $0x1;
	_ =	shalt  }
.Lfunc_end2:
_tile_overlayer_lowered:
.L_overlay_start_2:
0x45: {  	(tag) =	ssettag $0x2  }
0x46: {  	s0 =	rddreg [dreg:$0x0];
	s2 =	stileid.u32  }
0x47: {  	s1 =	rddreg [dreg:$0x1];
	p0 =	sne.s32 s2, $0x0  }
0x48: {  	s3 =	rddreg [dreg:$0x2];
	[bflag:$0x3] =	sbarrier.arrive $0xFFFF;
	s2 =	simm.s32 @!p0 $0x1C01  }
0x49: {  	[timem:s3], [sflag:s2] =	dma.local @!p0 [hbm:s0], s1  }
0x4a: {  	s0 =	simm.s32 @!p0 $0x1  }
0x4b: {  	_ =	swait.ge @!p0 [sflag:s0], s1  }
0x4c: {  	s1 =	ssub.s32 @!p0 $0x0, s1;
	[sflag:s0] =	ssyncset.done @!p0 $0x0  }
0x4d: {  	[sflag:s0] =	ssyncadd.s32 @!p0 s1  }
0x4e: {  	[bflag:$0x3] =	sbarrier.arrive $0xFFFF  }
0x4f: {  	_ =	shalt  }

// kernel: kernel.9.cloned.1.call-start
scs
__scs_entry_jumppad:
0x0: {  	(pc) =	sbr.rel $0x88, $3  }
0x1: {  	(tag) =	ssettag $0x0;
	lr =	simm.s32 $0x1  }
0x2: {  	[smem:$0x3F84] =	sst lr;
	_ =	strace $0xD0000000  }
0x3: {  	_ = 	snop  }
0x4: {  	_ = 	snop  }
0x5: {  	_ = 	snop  }
0x6: {  	_ = 	snop  }
0x7: {  	_ = 	snop  }
__scs_overlays_trampoline_lowered:
0x8: {  	[smem:$0x3F93] =	sst s0  }
0x9: {  	[smem:$0x3F94] =	sst s1  }
0xa: {  	[smem:$0x3F95] =	sst s2  }
0xb: {  	[smem:$0x3F96] =	sst s3  }
0xc: {  	[smem:$0x3F97] =	sst s4  }
0xd: {  	[smem:$0x3F98] =	sst s5  }
0xe: {  	[smem:$0x3F99] =	sst s6  }
0xf: {  	[smem:$0x3F9A] =	sst s7  }
0x10: {  	[smem:$0x3F9B] =	sst s8  }
0x11: {  	[smem:$0x3F9C] =	sst s9;
	s0 =	simm.s32 @!p0 $0x0  }
0x12: {  	s1 =	sld [smem:$0x3F82];
	s0 =	simm.s32 @p0 $0x1  }
0x13: {  	[smem:$0x3F9D] =	sst s0;
	s0 =	simm.s32 @!p1 $0x0  }
0x14: {  	s2 =	sld [smem:$0x3F81];
	s0 =	simm.s32 @p1 $0x1  }
0x15: {  	[smem:$0x3F9E] =	sst s0;
	s0 =	simm.s32 @!p2 $0x0  }
0x16: {  	s3 =	sld [smem:$0x3FDB];
	s0 =	simm.s32 @p2 $0x1  }
0x17: {  	s4 =	simm.s32 $0x1BF5;
	[smem:$0x3FA0] =	sst s0  }
0x18: {  	s0 =	sld [smem:$0x3F83];
	_ =	swait.ge [sflag:s4], $0x0  }
0x19: {  	s7 =	sld [smem:$0x3F84]  }
0x1a: {  	s8 =	sadd.s32 $0xFFFFE003, lr  }
0x1b: {  	s9 =	sadd.s32 $0xFFFFFEF7, lr;
	s5 =	simm.s32 $0xFFFFFFFF;
	p2 =	slt.u32 s8, $0xFFFFF086  }
0x1c: {  	p1 =	slt.u32 s9, $0xF7A;
	s5 =	simm.s32 @!p2 $0x0  }
0x1d: {  	s5 =	simm.s32 @p1 $0x1;
	p0 =	seq.s32 s7, s2  }
0x1e: {  	s7 =	smul.u32 @!p0 $0xF7A, s2;
	p2 =	seq.s32 @!p0 s5, $0x0  }
0x1f: {  	s9 =	smul.u32 $0xF7A, s1;
	s8 =	simm.s32 @!p0 $0x1BF5;
	p2 =	por !p2, p0  }
0x20: {  	[sflag:s8] =	ssyncset.s32 @!p0 $0xFFFFF086;
	s6 =	sadd.s32 @!p0 s3, s7;
	s7 =	simm.s32 @!p0 $0x108  }
0x21: {  	s3 =	sadd.s32 s3, s9;
	s6 =	sadd.s32 @!p0 $0x88, s6;
	s7 =	simm.s32 @p2 $0x1082  }
0x22: {  	[simem:s7], [sflag:s8] =	dma.local @!p0 [hbm:s6], $0xF7A  }
0x23: {  	s9 =	sor.u32 $0xD0000000, s2;
	s6 =	simm.s32 $0x108;
	_ =	swait.ge @!p0 [sflag:s8], $0x0  }
0x24: {  	s3 =	sadd.s32 $0x88, s3;
	s6 =	simm.s32 @!p1 $0x1082;
	[sflag:s4] =	ssyncset.s32 $0xFFFFF086  }
0x25: {  	[simem:s6], [sflag:s4] =	dma.local [hbm:s3], $0xF7A  }
0x26: {  	[smem:$0x3F84] =	sst s1;
	(tag) =	ssettag s2;
	_ =	strace s9  }
0x27: {  	s1 =	sld [smem:$0x3F94]  }
0x28: {  	s2 =	sld [smem:$0x3F95]  }
0x29: {  	s4 =	sld [smem:$0x3F97]  }
0x2a: {  	p0 =	seq.s32 s5, $0x0;
	s5 =	sld [smem:$0x3F98]  }
0x2b: {  	s6 =	sld [smem:$0x3F99]  }
0x2c: {  	s7 =	sld [smem:$0x3F9A]  }
0x2d: {  	s3 =	simm.s32 $0x108;
	s8 =	sld [smem:$0x3F9B]  }
0x2e: {  	s3 =	simm.s32 @!p0 $0x1082;
	s9 =	sld [smem:$0x3F9C]  }
0x2f: {  	lr =	sadd.s32 s0, s3;
	s0 =	sld [smem:$0x3F93]  }
0x30: {  	s3 =	sld [smem:$0x3F96]  }
0x31: {  	[smem:$0x3F9F] =	sst s10  }
0x32: {  	s10 =	sld [smem:$0x3F9D];
	_ =	sdelay $0x3  }
0x33: {  	p0 =	seq.s32 s10, $0x1;
	s10 =	sld [smem:$0x3F9F];
	_ =	sdelay $0x3  }
0x34: {  	[smem:$0x3F9F] =	sst s10  }
0x35: {  	s10 =	sld [smem:$0x3F9E];
	_ =	sdelay $0x3  }
0x36: {  	p1 =	seq.s32 s10, $0x1;
	s10 =	sld [smem:$0x3F9F];
	_ =	sdelay $0x3  }
0x37: {  	[smem:$0x3F9F] =	sst s10  }
0x38: {  	s10 =	sld [smem:$0x3FA0]  }
0x39: {  	_ = 	snop;
	(pc) =	sbr.ind lr, $3  }
0x3a: {  	_ = 	snop  }
0x3b: {  	_ = 	snop  }
0x3c: {  	p2 =	seq.s32 s10, $0x1;
	s10 =	sld [smem:$0x3F9F]  }
0x3d: {  	_ =	shalt  }
0x3e: {  	_ =	shalt  }
0x3f: {  	_ =	shalt  }
0x40: {  	_ =	shalt  }
0x41: {  	_ =	shalt  }
0x42: {  	_ =	shalt  }
0x43: {  	_ =	shalt  }
0x44: {  	_ =	shalt  }
0x45: {  	_ =	shalt  }
0x46: {  	_ =	shalt  }
0x47: {  	_ =	shalt  }
0x48: {  	_ =	shalt  }
0x49: {  	_ =	shalt  }
0x4a: {  	_ =	shalt  }
0x4b: {  	_ =	shalt  }
0x4c: {  	_ =	shalt  }
0x4d: {  	_ =	shalt  }
0x4e: {  	_ =	shalt  }
0x4f: {  	_ =	shalt  }
0x50: {  	_ =	shalt  }
0x51: {  	_ =	shalt  }
0x52: {  	_ =	shalt  }
0x53: {  	_ =	shalt  }
0x54: {  	_ =	shalt  }
0x55: {  	_ =	shalt  }
0x56: {  	_ =	shalt  }
0x57: {  	_ =	shalt  }
0x58: {  	_ =	shalt  }
0x59: {  	_ =	shalt  }
0x5a: {  	_ =	shalt  }
0x5b: {  	_ =	shalt  }
0x5c: {  	_ =	shalt  }
0x5d: {  	_ =	shalt  }
0x5e: {  	_ =	shalt  }
0x5f: {  	_ =	shalt  }
0x60: {  	_ =	shalt  }
0x61: {  	_ =	shalt  }
0x62: {  	_ =	shalt  }
0x63: {  	_ =	shalt  }
0x64: {  	_ =	shalt  }
0x65: {  	_ =	shalt  }
0x66: {  	_ =	shalt  }
0x67: {  	_ =	shalt  }
0x68: {  	_ =	shalt  }
0x69: {  	_ =	shalt  }
0x6a: {  	_ =	shalt  }
0x6b: {  	_ =	shalt  }
0x6c: {  	_ =	shalt  }
0x6d: {  	_ =	shalt  }
0x6e: {  	_ =	shalt  }
0x6f: {  	_ =	shalt  }
0x70: {  	_ =	shalt  }
0x71: {  	_ =	shalt  }
0x72: {  	_ =	shalt  }
0x73: {  	_ =	shalt  }
0x74: {  	_ =	shalt  }
0x75: {  	_ =	shalt  }
0x76: {  	_ =	shalt  }
0x77: {  	_ =	shalt  }
0x78: {  	_ =	shalt  }
0x79: {  	_ =	shalt  }
0x7a: {  	_ =	shalt  }
0x7b: {  	_ =	shalt  }
0x7c: {  	_ =	shalt  }
0x7d: {  	_ =	shalt  }
0x7e: {  	_ =	shalt  }
0x7f: {  	_ =	shalt  }
0x80: {  	_ =	shalt  }
0x81: {  	_ =	shalt  }
0x82: {  	_ =	shalt  }
0x83: {  	_ =	shalt  }
0x84: {  	_ =	shalt  }
0x85: {  	_ =	shalt  }
0x86: {  	_ =	shalt  }
0x87: {  	_ =	shalt  }
.Lfunc_end0:
.L_simem_size_0:
called_computation_lowered:
.L_overlay_start_0:
0x88: {  	s2 =	sld [smem:$0x3FD9]  }
0x89: {  	s3 =	sld [smem:$0x3FFE];
	_ =	sdelay $0x1  }
0x8a: {  	s1 =	srdreg.scid  }
0x8b: {  	s0 =	sand.u32 $0x1, s1  }
0x8c: {  	s17 =	sshll.u32 s0, $0xA;
	s2 =	sadd.s32 s3, s2  }
0x8d: {  	s2 =	sadd.s32 s2, s17  }
0x8e: {  	[smem:$0x3FAB] =	sst s2  }
0x8f: {  	_ = 	snop  }
0x90: {  	s18 =	sld [smem:$0x3FD0];
	(tm) =	ssettm $0x1  }
0x91: {  	s19 =	sld [smem:$0x3FFB];
	_ =	sdelay $0x3  }
0x92: {  	_ =	strace s19  }
0x93: {  	s2 =	sld [smem:$0x3FFC];
	_ =	sdelay $0x3  }
0x94: {  	_ =	strace s2  }
0x95: {  	s2 =	sld [smem:$0x3FFD];
	_ =	sdelay $0x3  }
0x96: {  	_ =	strace s2  }
0x97: {  	_ =	strace $0x8FFFFFFF  }
0x98: {  	s20 =	sld [smem:$0x3FDB];
	_ =	sdelay $0x1  }
0x99: {  	s4 =	simm.s32 $_scs_section_size  }
0x9a: {  	s5 =	simm.s32 $_size__tile_overlayer_lowered;
	s6 =	simm.s32 $_tile_overlayer_lowered  }
0x9b: {  	s7 =	simm.s32 $0x1BFF;
	s21 =	sshll.u32 s6, $0x1;
	s4 =	sadd.s32 s4, s20  }
0x9c: {  	s22 =	simm.s32 $0x0;
	s5 =	sshll.u32 s5, $0x1;
	s6 =	sadd.s32 s21, s4  }
0x9d: {  	[timem:s22], [sflag:s7] =	dma.local [hbm:s6], s5  }
0x9e: {  	_ =	swait.ge [sflag:s7], s5  }
0x9f: {  	s5 =	ssub.s32 $0x0, s5;
	[sflag:s7] =	ssyncset.done $0x0  }
0xa0: {  	[sflag:s7] =	ssyncadd.s32 s5;
	_ =	sdelay $0x1  }
0xa1: {  	s23 =	simm.s32 $0x1B8B  }
0xa2: {  	_ =	swait.ge [sflag:s23], $0x1  }
0xa3: {  	[sflag:s23] =	ssyncset.done $0x0  }
0xa4: {  	[sflag:s23] =	ssyncadd.s32 $0xFFFFFFFF  }
0xa5: {  	s5 =	sld [smem:$0x0]  }
0xa6: {  	s6 =	sand.u32 $0xFFFFFFFE, s1  }
0xa7: {  	p0 =	sne.s32 s1, s6  }
0xa8: {  	s6 =	sshll.u32 @p0 s6, $0xE  }
0xa9: {  	s6 =	sadd.s32 @p0 $0x11B8D, s6;
	s7 =	sshll.u32 @p0 s5, $0x11  }
0xaa: {  	s6 =	sor.u32 @p0 s7, s6  }
0xab: {  	[sflag:s6] =	ssyncadd.remote.s32 @p0 $0x1;
	_ =	sdelay $0x1  }
0xac: {  	s6 =	simm.s32 @p0 $0x1B8D  }
0xad: {  	_ =	swait.eq @p0 [sflag:s6], $0x1  }
0xae: {  	[sflag:s6] =	ssyncadd.s32 @p0 $0xFFFFFFFF  }
0xaf: {  	s7 =	sshll.u32 @!p0 s1, $0xE  }
0xb0: {  	s7 =	sor.u32 @!p0 $0x4000, s7;
	s6 =	simm.s32 @!p0 $0x1B8D  }
0xb1: {  	s5 =	sshll.u32 @!p0 s5, $0x11;
	s7 =	sadd.s32 @!p0 $0x11B8D, s7;
	_ =	swait.eq @!p0 [sflag:s6], $0x1  }
0xb2: {  	s5 =	sor.u32 @!p0 s5, s7;
	[sflag:s6] =	ssyncadd.s32 @!p0 $0xFFFFFFFF  }
0xb3: {  	s25 =	simm.s32 $0x1B8E;
	s24 =	sld [smem:$0x3FFE];
	[sflag:s5] =	ssyncadd.remote.s32 @!p0 $0x1  }
0xb4: {  	s26 =	simm.s32 $execute0_lowered;
	[smem:$0x3FD2] =	sst s25  }
0xb5: {  	s6 =	sshll.u32 s26, $0x1;
	_ =	strace $0x80000049;
	[dreg:$0x1] =	wrdreg $0xFFFFFFFF  }
0xb6: {  	s28 =	simm.s32 $_size_execute0_lowered;
	s4 =	sadd.s32 s4, s6;
	[dreg:$0x0] =	wrdreg $0x0  }
0xb7: {  	s6 =	sshll.u32 s28, $0x1;
	[dreg:$0x2] =	wrdreg s4  }
0xb8: {  	[dreg:$0x3] =	wrdreg s6  }
0xb9: {  	[dreg:$0x4] =	wrdreg $0xC0  }
0xba: {  	_ =	task [dreg:s22], $0x5FFFF  }
0xbb: {  	[dreg:$0x1] =	wrdreg $0xFFFFFFFF  }
0xbc: {  	[dreg:$0x0] =	wrdreg $0x60  }
0xbd: {  	[dreg:$0x2] =	wrdreg s24  }
0xbe: {  	[dreg:$0x3] =	wrdreg s18  }
0xbf: {  	[dreg:$0x4] =	wrdreg $0x9  }
0xc0: {  	_ =	task.clear_ibuf [dreg:s22], $0x5FFFF;
	_ =	strace $0x90000049  }
0xc1: {  	s29 =	simm.s32 $0x9;
	_ =	strace $0x8000004B  }
0xc2: {  	_ =	swait.ge [sflag:s29], $0x1  }
0xc3: {  	[sflag:s29] =	ssyncadd.s32 $0xFFFFFFFF  }
0xc4: {  	_ =	strace $0x9000004B  }
0xc5: {  	_ =	sfence  }
0xc6: {  	s30 =	sld [smem:$0x0];
	_ =	sdelay $0x2  }
0xc7: {  	s31 =	sshll.u32 s1, $0xD;
	s1 =	sshrl.u32 s1, $0x2  }
0xc8: {  	s4 =	sand.u32 $0x4000, s31;
	s1 =	sadd.s32 s1, s30  }
0xc9: {  	s0 =	sor.u32 s4, s0;
	s1 =	sshll.u32 s1, $0x11  }
0xca: {  	s0 =	sor.u32 s1, s0  }
0xcb: {  	s0 =	sadd.s32 $0x8F2B, s0  }
0xcc: {  	[sflag:s0] =	ssyncadd.remote.s32 $0x1  }
0xcd: {  	_ =	sfence.sel $0xFFFF  }
0xce: {  	[dreg:$0x0] =	wrdreg $0xFFFFFFFF;
	(pc) =	sbr.abs _section_cstart, $3  }
0xcf: {  	[dreg:$0x1] =	wrdreg $0xFFFFFFFF  }
0xd0: {  	_ =	task.clear_ibuf [dreg:s22], $0x2FFFF;
	_ =	strace $0x9FFFFFFF  }
0xd1: {  	(tm) =	ssettm $0x7FFFFFFF  }
tec
execute0_lowered:
.L_overlay_start_1:
0x0: {  	(tag) =	ssettag $0x1  }
0x1: {  	s4 =	rddreg [dreg:$0x0]  }
0x2: {  	s6 =	rddreg [dreg:$0x1]  }
0x3: {  	s0 =	rddreg [dreg:$0x2];
	s1 =	stileid.u32  }
0x4: {  	s2 =	simm.s32 $0x0;
	s3 =	srdreg.scid;
	s12 =	simm.s32 $0x2080  }
0x5: {  	s13 =	simm.s32 $0x2880;
	s14 =	simm.s32 $0x3080;
	s15 =	simm.s32 $0x3880  }
0x6: {  	s16 =	simm.s32 $0x4080;
	s17 =	simm.s32 $0x4880;
	s18 =	simm.s32 $0x5080  }
0x7: {  	s19 =	simm.s32 $0x5880;
	s20 =	simm.s32 $0x6080;
	s21 =	simm.s32 $0x6880  }
0x8: {  	s22 =	simm.s32 $0x7080;
	s23 =	simm.s32 $0x7880;
	s5 =	smul.u32 $0x9E000, s1  }
0x9: {  	s24 =	simm.s32 $0x1;
	s7 =	sand.u32 $0x1, s3;
	s8 =	smul.u32 $0x4F00, s1  }
0xa: {  	s25 =	simm.s32 $0x0;
	[smem:$0x7FF] =	sst s2;
	s10 =	smul.u32 $0x2780, s7  }
0xb: {  	s3 =	sadd.s32 $0x5E400, s4;
	s9 =	ssub.s32 $0x2, s7;
	s7 =	smul.u32 $0x4F000, s7  }
0xc: {  	_ =	strace $0x8000004A;
	s11 =	sshrl.u32 s9, $0x1;
	s5 =	sadd.s32 s5, s4  }
0xd: {  	s30 =	ssub.s32 s9, s11;
	s8 =	sadd.s32 s10, s8;
	s5 =	sadd.s32 s7, s5  }
0xe: {  	v2 =	vlaneseq.u32;
	s7 =	simm.s32 $0x2;
	s9 =	simm.s32 $0x880;
	s10 =	simm.s32 $0x1080  }
0xf: {  	vm0 =	vmmov $0xffff;
	v1 =	vshrl.u32 v2, $0x3;
	s11 =	simm.s32 $0x1880;
	s4 =	smax.u32 s30, $0x1;
	s31 =	sshrl.u32 s8, $0x3  }
0x10: {  	v0 =	vand.u32 $0x7, v2;
	v2 =	vor.u32 $0x8, v2;
	v1 =	vmul.u32 $0x8, v1;
	s5 =	sadd.s32 $0x59E400, s5;
	s8 =	simm.s32 $0x80;
	s6 =	sadd.s32 s31, s6  }
.LBB2_1:
0x11: {  	s26 =	smov.u32 s5;
	s28 =	simm.s32 $0x0  }
.LBB2_2:
0x12: {  	s29 =	sadd.s32 s28, s6  }
0x13: {  	[tilespmem:s2], [sflag:$0x2] =	stream.linear.gather [hbm4b:s29+s2], $0x80, $0x38;
	[tilespmem:$0x8080] =	vst v63  }
0x14: {  	_ =	swait.ge [sflag:s7], $0x80  }
0x15: {  	[sflag:s7] =	ssyncset.done $0x0  }
0x16: {  	[sflag:s7] =	ssyncadd.s32 $0xFFFFFF80  }
0x17: {  	v3 =	vld [tilespmem:$0x0];
	_ =	sdelay $0x4  }
0x18: {  	v4 =	vshll.u32 v3, $0x1  }
0x19: {  	v3 =	vand.u32 $0x7, v3;
	v4 =	vand.u32 $0xFFFFFFF0, v4  }
0x1a: {  	v3 =	vor.u32 v3, v4  }
0x1b: {  	v4 =	vperm.xlane v3, v0;
	_ =	sdelay $0x1  }
0x1c: {  	v3 =	vperm.xlane v3, v2;
	v4 =	vadd.s32 v1, v4;
	_ =	sdelay $0x1  }
0x1d: {  	v3 =	vadd.s32 v1, v3;
	_ =	sdelay $0x2  }
0x1e: {  	[tilespmem:s8], [sflag:$0x1] =	stream.indirect_vreg.gather [hbm4b:s3+s2], $0x80, v4, vm0, $0xb8;
	[tilespmem:$0x8080] =	vst v63  }
0x1f: {  	_ = 	snop  }
0x20: {  	[tilespmem:s9], [sflag:$0x1] =	stream.indirect_vreg.gather [hbm4b:s3+s2], $0x80, v3, vm0, $0xb8;
	[tilespmem:$0x8080] =	vst v63  }
0x21: {  	v3 =	vld [tilespmem:$0x10];
	_ =	sdelay $0x4  }
0x22: {  	v57 =	vshll.u32 v3, $0x1  }
0x23: {  	v3 =	vand.u32 $0x7, v3;
	v4 =	vand.u32 $0xFFFFFFF0, v57  }
0x24: {  	v3 =	vor.u32 v3, v4  }
0x25: {  	v4 =	vperm.xlane v3, v0;
	_ =	sdelay $0x1  }
0x26: {  	v3 =	vperm.xlane v3, v2;
	v4 =	vadd.s32 v1, v4;
	_ =	sdelay $0x1  }
0x27: {  	v3 =	vadd.s32 v1, v3;
	_ =	sdelay $0x2  }
0x28: {  	[tilespmem:s10], [sflag:$0x1] =	stream.indirect_vreg.gather [hbm4b:s3+s2], $0x80, v4, vm0, $0xb8;
	[tilespmem:$0x8080] =	vst v63  }
0x29: {  	_ = 	snop  }
0x2a: {  	[tilespmem:s11], [sflag:$0x1] =	stream.indirect_vreg.gather [hbm4b:s3+s2], $0x80, v3, vm0, $0xb8;
	[tilespmem:$0x8080] =	vst v63  }
0x2b: {  	v3 =	vld [tilespmem:$0x20];
	_ =	sdelay $0x4  }
0x2c: {  	v58 =	vshll.u32 v3, $0x1  }
0x2d: {  	v3 =	vand.u32 $0x7, v3;
	v4 =	vand.u32 $0xFFFFFFF0, v58  }
0x2e: {  	v3 =	vor.u32 v3, v4  }
0x2f: {  	v4 =	vperm.xlane v3, v0;
	_ =	sdelay $0x1  }
0x30: {  	v3 =	vperm.xlane v3, v2;
	v4 =	vadd.s32 v1, v4;
	_ =	sdelay $0x1  }
0x31: {  	v3 =	vadd.s32 v1, v3;
	_ =	sdelay $0x2  }
0x32: {  	[tilespmem:s12], [sflag:$0x1] =	stream.indirect_vreg.gather [hbm4b:s3+s2], $0x80, v4, vm0, $0xb8;
	[tilespmem:$0x8080] =	vst v63  }
0x33: {  	_ = 	snop  }
0x34: {  	[tilespmem:s13], [sflag:$0x1] =	stream.indirect_vreg.gather [hbm4b:s3+s2], $0x80, v3, vm0, $0xb8;
	[tilespmem:$0x8080] =	vst v63  }
0x35: {  	v3 =	vld [tilespmem:$0x30];
	_ =	sdelay $0x4  }
0x36: {  	v59 =	vshll.u32 v3, $0x1  }
0x37: {  	v3 =	vand.u32 $0x7, v3;
	v4 =	vand.u32 $0xFFFFFFF0, v59  }
0x38: {  	v3 =	vor.u32 v3, v4  }
0x39: {  	v4 =	vperm.xlane v3, v0;
	_ =	sdelay $0x1  }
0x3a: {  	v3 =	vperm.xlane v3, v2;
	v4 =	vadd.s32 v1, v4;
	_ =	sdelay $0x1  }
0x3b: {  	v3 =	vadd.s32 v1, v3;
	_ =	sdelay $0x2  }
0x3c: {  	[tilespmem:s14], [sflag:$0x1] =	stream.indirect_vreg.gather [hbm4b:s3+s2], $0x80, v4, vm0, $0xb8;
	[tilespmem:$0x8080] =	vst v63  }
0x3d: {  	_ = 	snop  }
0x3e: {  	[tilespmem:s15], [sflag:$0x1] =	stream.indirect_vreg.gather [hbm4b:s3+s2], $0x80, v3, vm0, $0xb8;
	[tilespmem:$0x8080] =	vst v63  }
0x3f: {  	v3 =	vld [tilespmem:$0x40];
	_ =	sdelay $0x4  }
0x40: {  	v60 =	vshll.u32 v3, $0x1  }
0x41: {  	v3 =	vand.u32 $0x7, v3;
	v4 =	vand.u32 $0xFFFFFFF0, v60  }
0x42: {  	v3 =	vor.u32 v3, v4  }
0x43: {  	v4 =	vperm.xlane v3, v0;
	_ =	sdelay $0x1  }
0x44: {  	v3 =	vperm.xlane v3, v2;
	v4 =	vadd.s32 v1, v4;
	_ =	sdelay $0x1  }
0x45: {  	v3 =	vadd.s32 v1, v3;
	_ =	sdelay $0x2  }
0x46: {  	[tilespmem:s16], [sflag:$0x1] =	stream.indirect_vreg.gather [hbm4b:s3+s2], $0x80, v4, vm0, $0xb8;
	[tilespmem:$0x8080] =	vst v63  }
0x47: {  	_ = 	snop  }
0x48: {  	[tilespmem:s17], [sflag:$0x1] =	stream.indirect_vreg.gather [hbm4b:s3+s2], $0x80, v3, vm0, $0xb8;
	[tilespmem:$0x8080] =	vst v63  }
0x49: {  	v3 =	vld [tilespmem:$0x50];
	_ =	sdelay $0x4  }
0x4a: {  	v61 =	vshll.u32 v3, $0x1  }
0x4b: {  	v3 =	vand.u32 $0x7, v3;
	v4 =	vand.u32 $0xFFFFFFF0, v61  }
0x4c: {  	v3 =	vor.u32 v3, v4  }
0x4d: {  	v4 =	vperm.xlane v3, v0;
	_ =	sdelay $0x1  }
0x4e: {  	v3 =	vperm.xlane v3, v2;
	v4 =	vadd.s32 v1, v4;
	_ =	sdelay $0x1  }
0x4f: {  	v3 =	vadd.s32 v1, v3;
	_ =	sdelay $0x2  }
0x50: {  	[tilespmem:s18], [sflag:$0x1] =	stream.indirect_vreg.gather [hbm4b:s3+s2], $0x80, v4, vm0, $0xb8;
	[tilespmem:$0x8080] =	vst v63  }
0x51: {  	_ = 	snop  }
0x52: {  	[tilespmem:s19], [sflag:$0x1] =	stream.indirect_vreg.gather [hbm4b:s3+s2], $0x80, v3, vm0, $0xb8;
	[tilespmem:$0x8080] =	vst v63  }
0x53: {  	v3 =	vld [tilespmem:$0x60];
	_ =	sdelay $0x4  }
0x54: {  	v62 =	vshll.u32 v3, $0x1  }
0x55: {  	v3 =	vand.u32 $0x7, v3;
	v4 =	vand.u32 $0xFFFFFFF0, v62  }
0x56: {  	v3 =	vor.u32 v3, v4  }
0x57: {  	v4 =	vperm.xlane v3, v0;
	_ =	sdelay $0x1  }
0x58: {  	v3 =	vperm.xlane v3, v2;
	v4 =	vadd.s32 v1, v4;
	_ =	sdelay $0x1  }
0x59: {  	v3 =	vadd.s32 v1, v3;
	_ =	sdelay $0x2  }
0x5a: {  	[tilespmem:s20], [sflag:$0x1] =	stream.indirect_vreg.gather [hbm4b:s3+s2], $0x80, v4, vm0, $0xb8;
	[tilespmem:$0x8080] =	vst v63  }
0x5b: {  	_ = 	snop  }
0x5c: {  	[tilespmem:s21], [sflag:$0x1] =	stream.indirect_vreg.gather [hbm4b:s3+s2], $0x80, v3, vm0, $0xb8;
	[tilespmem:$0x8080] =	vst v63  }
0x5d: {  	v3 =	vld [tilespmem:$0x70];
	_ =	sdelay $0x4  }
0x5e: {  	v63 =	vshll.u32 v3, $0x1  }
0x5f: {  	v3 =	vand.u32 $0x7, v3;
	v4 =	vand.u32 $0xFFFFFFF0, v63  }
0x60: {  	v3 =	vor.u32 v3, v4  }
0x61: {  	v4 =	vperm.xlane v3, v0;
	_ =	sdelay $0x1  }
0x62: {  	v3 =	vperm.xlane v3, v2;
	v4 =	vadd.s32 v1, v4;
	_ =	sdelay $0x1  }
0x63: {  	v3 =	vadd.s32 v1, v3;
	_ =	sdelay $0x2  }
0x64: {  	[tilespmem:s22], [sflag:$0x1] =	stream.indirect_vreg.gather [hbm4b:s3+s2], $0x80, v4, vm0, $0xb8;
	[tilespmem:$0x8080] =	vst v63  }
0x65: {  	_ = 	snop  }
0x66: {  	[tilespmem:s23], [sflag:$0x1] =	stream.indirect_vreg.gather [hbm4b:s3+s2], $0x80, v3, vm0, $0xb8;
	[tilespmem:$0x8080] =	vst v63  }
0x67: {  	_ =	swait.ge [sflag:s24], $0x8000  }
0x68: {  	p0 =	sne.s32 s28, $0x4E0;
	[sflag:s24] =	ssyncset.done $0x0  }
.Ltmp0:
0x69: {  	[sflag:s24] =	ssyncadd.s32 $0xFFFF8000;
	(pc) =	sbr.rel @p0 .LBB2_2-.Ltmp0, $4  }
0x6a: {  	[hbm4b:s26+s2] =	stream.linear.scatter [tilespmem:s8], [sflag:$0x2], $0x8000, $0x38;
	[tilespmem:$0x8080] =	vst v63  }
0x6b: {  	_ =	swait.ge [sflag:s7], $0x8000  }
0x6c: {  	[sflag:s7] =	ssyncset.done $0x0  }
0x6d: {  	s28 =	sadd.s32 $0x10, s28;
	s26 =	sadd.s32 $0x1000, s26;
	[sflag:s7] =	ssyncadd.s32 $0xFFFF8000  }
0x6e: {  	s25 =	sadd.s32 $0x1, s25  }
0x6f: {  	p0 =	sne.s32 s25, s4  }
.Ltmp1:
0x70: {  	_ = 	snop;
	(pc) =	sbr.rel @p0 .LBB2_1-.Ltmp1, $1  }
0x71: {  	_ =	sdelay $0x3  }
0x72: {  	_ =	sfence.sel $0x180000  }
0x73: {  	[bflag:$0x0] =	sbarrier.arrive $0xFFFF  }
0x74: {  	p0 =	sne.s32 s1, $0x0;
	_ =	strace $0x9000004A  }
0x75: {  	s0 =	sadd.s32 @!p0 $0x100000, s0;
	[bflag:$0x2] =	sbarrier.arrive $0xFFFF  }
0x76: {  	[sflag:s0] =	ssyncadd.tile.s32 @!p0 $0x1;
	_ =	shalt  }
.Lfunc_end2:
_tile_overlayer_lowered:
.L_overlay_start_2:
0x77: {  	(tag) =	ssettag $0x2  }
0x78: {  	s0 =	rddreg [dreg:$0x0];
	s2 =	stileid.u32  }
0x79: {  	s1 =	rddreg [dreg:$0x1];
	p0 =	sne.s32 s2, $0x0  }
0x7a: {  	s3 =	rddreg [dreg:$0x2];
	[bflag:$0x3] =	sbarrier.arrive $0xFFFF;
	s2 =	simm.s32 @!p0 $0x1C02  }
0x7b: {  	[timem:s3], [sflag:s2] =	dma.local @!p0 [hbm:s0], s1  }
0x7c: {  	s0 =	simm.s32 @!p0 $0x2  }
0x7d: {  	_ =	swait.ge @!p0 [sflag:s0], s1  }
0x7e: {  	s1 =	ssub.s32 @!p0 $0x0, s1;
	[sflag:s0] =	ssyncset.done @!p0 $0x0  }
0x7f: {  	[sflag:s0] =	ssyncadd.s32 @!p0 s1  }
0x80: {  	[bflag:$0x3] =	sbarrier.arrive $0xFFFF  }
0x81: {  	_ =	shalt  }

</sc_bundles>
